<compile_context>
chip_gen: v7x
topology: tpu7x:2x2x1
jax: 0.10.2.dev20260603
libtpu: 0.0.44.dev20260713+nightly
codegen_flags: <defaults>
</compile_context>

<pallas_src>
import functools

import jax
import jax.numpy as jnp
from jax import lax
from jax.experimental import pallas as pl
from jax.experimental.pallas import tpu as pltpu
from jax.experimental.pallas import tpu_sc as plsc

BATCH = 1024
SEQ = 200
EMBED = 128

NUM_CORES = 2
NUM_SUBCORES = 16
NW = NUM_CORES * NUM_SUBCORES
N_TOTAL = BATCH * SEQ
PER_W = N_TOTAL // NW
CHUNK = 128
NCHUNK = PER_W // CHUNK
NBUF = 7
NITER = NCHUNK // NBUF
TAIL = NCHUNK - NITER * NBUF

_mesh = plsc.VectorSubcoreMesh(core_axis_name="c", subcore_axis_name="s")


@functools.partial(
    pl.kernel,
    mesh=_mesh,
    out_type=jax.ShapeDtypeStruct((N_TOTAL, EMBED), jnp.float32),
    scratch_types=[
        pltpu.VMEM((NCHUNK, CHUNK), jnp.int32),
        *[pltpu.VMEM((CHUNK, EMBED), jnp.float32) for _ in range(NBUF)],
        *[pltpu.SemaphoreType.DMA for _ in range(2 * NBUF)],
    ],
)
def _embed_sc(words_hbm, table_hbm, out_hbm, idx_v, *bufs_and_sems):
    rows = bufs_and_sems[:NBUF]
    gsem = bufs_and_sems[NBUF:2 * NBUF]
    ssem = bufs_and_sems[2 * NBUF:]

    wid = lax.axis_index("s") * NUM_CORES + lax.axis_index("c")
    base = wid * PER_W
    pltpu.sync_copy(words_hbm.at[wid], idx_v)

    def fire_gather(j, b):
        pltpu.async_copy(table_hbm.at[idx_v.at[j]], rows[b], gsem[b])

    def wait_gather(b):
        pltpu.make_async_copy(table_hbm.at[idx_v.at[0]], rows[b], gsem[b]).wait()

    def fire_scatter(j, b):
        pltpu.async_copy(rows[b], out_hbm.at[pl.ds(base + j * CHUNK, CHUNK)],
                         ssem[b])

    def wait_scatter(b):
        pltpu.make_async_copy(rows[b], out_hbm.at[pl.ds(base, CHUNK)],
                              ssem[b]).wait()

    for b in range(NBUF):
        fire_gather(b, b)

    def body(i, carry):
        j0 = i * NBUF
        for b in range(NBUF):
            wait_gather(b)
            fire_scatter(j0 + b, b)
        for b in range(NBUF):
            wait_scatter(b)
            fire_gather(j0 + NBUF + b, b)
        return carry

    lax.fori_loop(0, NITER - 1, body, 0)

    j0 = (NITER - 1) * NBUF
    for b in range(NBUF):
        wait_gather(b)
        fire_scatter(j0 + b, b)
    for b in range(TAIL):
        wait_scatter(b)
        fire_gather(j0 + NBUF + b, b)
    for b in range(TAIL):
        wait_gather(b)
        fire_scatter(j0 + NBUF + b, b)
    for b in range(NBUF):
        wait_scatter(b)


def kernel(words, table):
    words_r = words.reshape(NW, NCHUNK, CHUNK)
    out = _embed_sc(words_r, table)
    return out.reshape(BATCH, SEQ, EMBED)

# --- scband reference (transcript-rebuilt; emitter-appended) ---
"""Pipeline reference for scband-word-embedding-88725434401011 (READ-ONLY COPY).

The authoritative reference and input builder live on the scoring server;
editing this copy changes nothing except your own understanding.
"""

import jax, jax.numpy as jnp
import numpy as np

VOCAB = 100000
EMBED_DIM = 128
BATCH = 1024
SEQ = 200

def setup_inputs(seed: int = 0) -> dict:
    key = jax.random.key(seed)
    k1, k2 = jax.random.split(key)
    words = jax.random.randint(k1, (BATCH, SEQ), 0, VOCAB, dtype=jnp.int32)
    table = jax.random.normal(k2, (VOCAB, EMBED_DIM), dtype=jnp.float32) * 0.02
    return {"words": words, "table": table}

def reference(words, table):
    # WordEmbedding.forward: x = self.word_embedding(words); return self.dropout(x)
    # Embedding lookup -> gather rows of the table.
    x = jnp.take(table, words, axis=0)
    # Dropout in eval mode is identity (deterministic reference).
    return x

if __name__ == "__main__":
    import jax
    _d = setup_inputs()
    print(jax.jit(kernel)(*tuple(_d.values())))

</pallas_src>

<mosaic_0001>
#map = affine_map<(d0, d1) -> (0, 0, 0)>
#map1 = affine_map<(d0, d1) -> (0, 0)>
module attributes {stable_mosaic.version = 14 : i64} {
  func.func @_embed_sc(%arg0: i32, %arg1: i32, %arg2: memref<32x50x128xi32, #tpu.memory_space<hbm>>, %arg3: memref<100000x128xf32, #tpu.memory_space<hbm>>, %arg4: memref<204800x128xf32, #tpu.memory_space<hbm>>, %arg5: memref<50x128xi32, #tpu.memory_space<vmem>>, %arg6: memref<128x128xf32, #tpu.memory_space<vmem>>, %arg7: memref<128x128xf32, #tpu.memory_space<vmem>>, %arg8: memref<128x128xf32, #tpu.memory_space<vmem>>, %arg9: memref<128x128xf32, #tpu.memory_space<vmem>>, %arg10: memref<128x128xf32, #tpu.memory_space<vmem>>, %arg11: memref<128x128xf32, #tpu.memory_space<vmem>>, %arg12: memref<128x128xf32, #tpu.memory_space<vmem>>, %arg13: memref<!tpu.dma_semaphore, #tpu.memory_space<semaphore_mem>>, %arg14: memref<!tpu.dma_semaphore, #tpu.memory_space<semaphore_mem>>, %arg15: memref<!tpu.dma_semaphore, #tpu.memory_space<semaphore_mem>>, %arg16: memref<!tpu.dma_semaphore, #tpu.memory_space<semaphore_mem>>, %arg17: memref<!tpu.dma_semaphore, #tpu.memory_space<semaphore_mem>>, %arg18: memref<!tpu.dma_semaphore, #tpu.memory_space<semaphore_mem>>, %arg19: memref<!tpu.dma_semaphore, #tpu.memory_space<semaphore_mem>>, %arg20: memref<!tpu.dma_semaphore, #tpu.memory_space<semaphore_mem>>, %arg21: memref<!tpu.dma_semaphore, #tpu.memory_space<semaphore_mem>>, %arg22: memref<!tpu.dma_semaphore, #tpu.memory_space<semaphore_mem>>, %arg23: memref<!tpu.dma_semaphore, #tpu.memory_space<semaphore_mem>>, %arg24: memref<!tpu.dma_semaphore, #tpu.memory_space<semaphore_mem>>, %arg25: memref<!tpu.dma_semaphore, #tpu.memory_space<semaphore_mem>>, %arg26: memref<!tpu.dma_semaphore, #tpu.memory_space<semaphore_mem>>) attributes {dimension_semantics = [#tpu.dimension_semantics<core_parallel>, #tpu.dimension_semantics<subcore_parallel>], iteration_bounds = array<i64: 2, 16>, scalar_prefetch = 0 : i64, scratch_operands = 22 : i64, tpu.core_type = #tpu.core_type<sc_vector_subcore>, window_params = [{transform_indices = #map}, {transform_indices = #map1}, {transform_indices = #map1}]} {
    %mul3A = arith.constant 2 : i32
    %mul3A_0 = arith.muli %arg1, %mul3A : i32
    %add3A = arith.addi %mul3A_0, %arg0 : i32
    %mul3A_1 = arith.constant 6400 : i32
    %mul3A_2 = arith.muli %add3A, %mul3A_1 : i32
    "tpu.region"() ({
      %run_scoped3A = tpu.sem_alloc : memref<!tpu.dma_semaphore, #tpu.memory_space<semaphore_mem>>
      %dma_start3A_198 = arith.constant 0 : i32
      %dma_start3A_199 = arith.constant 0 : i32
      %dma_start3A_200 = tpu.memref_slice %arg2[%add3A, %dma_start3A_198, %dma_start3A_199] : memref<32x50x128xi32, #tpu.memory_space<hbm>> -> memref<1x50x128xi32, #tpu.memory_space<hbm>>
      %dma_start3A_201 = tpu.memref_squeeze %dma_start3A_200 : memref<1x50x128xi32, #tpu.memory_space<hbm>> -> memref<50x128xi32, #tpu.memory_space<hbm>>
      %dma_start3A_202 = arith.constant 0 : i32
      %dma_start3A_203 = arith.constant 0 : i32
      %dma_start3A_204 = tpu.memref_slice %arg2[%add3A, %dma_start3A_202, %dma_start3A_203] : memref<32x50x128xi32, #tpu.memory_space<hbm>> -> memref<1x50x128xi32, #tpu.memory_space<hbm>>
      %dma_start3A_205 = tpu.memref_squeeze %dma_start3A_204 : memref<1x50x128xi32, #tpu.memory_space<hbm>> -> memref<50x128xi32, #tpu.memory_space<hbm>>
      tpu.enqueue_dma source(%dma_start3A_205 : memref<50x128xi32, #tpu.memory_space<hbm>>) target(%arg5 : memref<50x128xi32, #tpu.memory_space<vmem>>) target_semaphore(%run_scoped3A : memref<!tpu.dma_semaphore, #tpu.memory_space<semaphore_mem>>)
      %dma_wait3A_206 = arith.constant 0 : i32
      %dma_wait3A_207 = arith.constant 0 : i32
      %dma_wait3A_208 = tpu.memref_slice %arg2[%add3A, %dma_wait3A_206, %dma_wait3A_207] : memref<32x50x128xi32, #tpu.memory_space<hbm>> -> memref<1x50x128xi32, #tpu.memory_space<hbm>>
      %dma_wait3A_209 = tpu.memref_squeeze %dma_wait3A_208 : memref<1x50x128xi32, #tpu.memory_space<hbm>> -> memref<50x128xi32, #tpu.memory_space<hbm>>
      %dma_wait3A_210 = arith.constant 0 : i32
      %dma_wait3A_211 = arith.constant 0 : i32
      %dma_wait3A_212 = tpu.memref_slice %arg2[%add3A, %dma_wait3A_210, %dma_wait3A_211] : memref<32x50x128xi32, #tpu.memory_space<hbm>> -> memref<1x50x128xi32, #tpu.memory_space<hbm>>
      %dma_wait3A_213 = tpu.memref_squeeze %dma_wait3A_212 : memref<1x50x128xi32, #tpu.memory_space<hbm>> -> memref<50x128xi32, #tpu.memory_space<hbm>>
      tpu.wait_dma2 semaphore(%run_scoped3A : memref<!tpu.dma_semaphore, #tpu.memory_space<semaphore_mem>>) src(%dma_wait3A_213 : memref<50x128xi32, #tpu.memory_space<hbm>>) dst(%arg5 : memref<50x128xi32, #tpu.memory_space<vmem>>)
      tpu.yield
    }) : () -> ()
    %dma_start3A = arith.constant 0 : i32
    %dma_start3A_3 = arith.constant 0 : i32
    %dma_start3A_4 = tpu.memref_slice %arg5[%dma_start3A, %dma_start3A_3] : memref<50x128xi32, #tpu.memory_space<vmem>> -> memref<1x128xi32, #tpu.memory_space<vmem>>
    %dma_start3A_5 = tpu.memref_squeeze %dma_start3A_4 : memref<1x128xi32, #tpu.memory_space<vmem>> -> memref<128xi32, #tpu.memory_space<vmem>>
    %dma_start3A_6 = arith.constant 0 : i32
    %dma_start3A_7 = arith.constant 0 : i32
    %dma_start3A_8 = tpu.memref_slice %arg3[%dma_start3A_6, %dma_start3A_7] : memref<100000x128xf32, #tpu.memory_space<hbm>> -> memref<100000x128xf32, #tpu.memory_space<hbm>>
    tpu.enqueue_indirect_dma source(%dma_start3A_8 : memref<100000x128xf32, #tpu.memory_space<hbm>>) target(%arg6 : memref<128x128xf32, #tpu.memory_space<vmem>>) offsets(%dma_start3A_5 : memref<128xi32, #tpu.memory_space<vmem>>) semaphore(%arg13 : memref<!tpu.dma_semaphore, #tpu.memory_space<semaphore_mem>>)
    %dma_start3A_9 = arith.constant 1 : i32
    %dma_start3A_10 = arith.constant 0 : i32
    %dma_start3A_11 = tpu.memref_slice %arg5[%dma_start3A_9, %dma_start3A_10] : memref<50x128xi32, #tpu.memory_space<vmem>> -> memref<1x128xi32, #tpu.memory_space<vmem>>
    %dma_start3A_12 = tpu.memref_squeeze %dma_start3A_11 : memref<1x128xi32, #tpu.memory_space<vmem>> -> memref<128xi32, #tpu.memory_space<vmem>>
    %dma_start3A_13 = arith.constant 0 : i32
    %dma_start3A_14 = arith.constant 0 : i32
    %dma_start3A_15 = tpu.memref_slice %arg3[%dma_start3A_13, %dma_start3A_14] : memref<100000x128xf32, #tpu.memory_space<hbm>> -> memref<100000x128xf32, #tpu.memory_space<hbm>>
    tpu.enqueue_indirect_dma source(%dma_start3A_15 : memref<100000x128xf32, #tpu.memory_space<hbm>>) target(%arg7 : memref<128x128xf32, #tpu.memory_space<vmem>>) offsets(%dma_start3A_12 : memref<128xi32, #tpu.memory_space<vmem>>) semaphore(%arg14 : memref<!tpu.dma_semaphore, #tpu.memory_space<semaphore_mem>>)
    %dma_start3A_16 = arith.constant 2 : i32
    %dma_start3A_17 = arith.constant 0 : i32
    %dma_start3A_18 = tpu.memref_slice %arg5[%dma_start3A_16, %dma_start3A_17] : memref<50x128xi32, #tpu.memory_space<vmem>> -> memref<1x128xi32, #tpu.memory_space<vmem>>
    %dma_start3A_19 = tpu.memref_squeeze %dma_start3A_18 : memref<1x128xi32, #tpu.memory_space<vmem>> -> memref<128xi32, #tpu.memory_space<vmem>>
    %dma_start3A_20 = arith.constant 0 : i32
    %dma_start3A_21 = arith.constant 0 : i32
    %dma_start3A_22 = tpu.memref_slice %arg3[%dma_start3A_20, %dma_start3A_21] : memref<100000x128xf32, #tpu.memory_space<hbm>> -> memref<100000x128xf32, #tpu.memory_space<hbm>>
    tpu.enqueue_indirect_dma source(%dma_start3A_22 : memref<100000x128xf32, #tpu.memory_space<hbm>>) target(%arg8 : memref<128x128xf32, #tpu.memory_space<vmem>>) offsets(%dma_start3A_19 : memref<128xi32, #tpu.memory_space<vmem>>) semaphore(%arg15 : memref<!tpu.dma_semaphore, #tpu.memory_space<semaphore_mem>>)
    %dma_start3A_23 = arith.constant 3 : i32
    %dma_start3A_24 = arith.constant 0 : i32
    %dma_start3A_25 = tpu.memref_slice %arg5[%dma_start3A_23, %dma_start3A_24] : memref<50x128xi32, #tpu.memory_space<vmem>> -> memref<1x128xi32, #tpu.memory_space<vmem>>
    %dma_start3A_26 = tpu.memref_squeeze %dma_start3A_25 : memref<1x128xi32, #tpu.memory_space<vmem>> -> memref<128xi32, #tpu.memory_space<vmem>>
    %dma_start3A_27 = arith.constant 0 : i32
    %dma_start3A_28 = arith.constant 0 : i32
    %dma_start3A_29 = tpu.memref_slice %arg3[%dma_start3A_27, %dma_start3A_28] : memref<100000x128xf32, #tpu.memory_space<hbm>> -> memref<100000x128xf32, #tpu.memory_space<hbm>>
    tpu.enqueue_indirect_dma source(%dma_start3A_29 : memref<100000x128xf32, #tpu.memory_space<hbm>>) target(%arg9 : memref<128x128xf32, #tpu.memory_space<vmem>>) offsets(%dma_start3A_26 : memref<128xi32, #tpu.memory_space<vmem>>) semaphore(%arg16 : memref<!tpu.dma_semaphore, #tpu.memory_space<semaphore_mem>>)
    %dma_start3A_30 = arith.constant 4 : i32
    %dma_start3A_31 = arith.constant 0 : i32
    %dma_start3A_32 = tpu.memref_slice %arg5[%dma_start3A_30, %dma_start3A_31] : memref<50x128xi32, #tpu.memory_space<vmem>> -> memref<1x128xi32, #tpu.memory_space<vmem>>
    %dma_start3A_33 = tpu.memref_squeeze %dma_start3A_32 : memref<1x128xi32, #tpu.memory_space<vmem>> -> memref<128xi32, #tpu.memory_space<vmem>>
    %dma_start3A_34 = arith.constant 0 : i32
    %dma_start3A_35 = arith.constant 0 : i32
    %dma_start3A_36 = tpu.memref_slice %arg3[%dma_start3A_34, %dma_start3A_35] : memref<100000x128xf32, #tpu.memory_space<hbm>> -> memref<100000x128xf32, #tpu.memory_space<hbm>>
    tpu.enqueue_indirect_dma source(%dma_start3A_36 : memref<100000x128xf32, #tpu.memory_space<hbm>>) target(%arg10 : memref<128x128xf32, #tpu.memory_space<vmem>>) offsets(%dma_start3A_33 : memref<128xi32, #tpu.memory_space<vmem>>) semaphore(%arg17 : memref<!tpu.dma_semaphore, #tpu.memory_space<semaphore_mem>>)
    %dma_start3A_37 = arith.constant 5 : i32
    %dma_start3A_38 = arith.constant 0 : i32
    %dma_start3A_39 = tpu.memref_slice %arg5[%dma_start3A_37, %dma_start3A_38] : memref<50x128xi32, #tpu.memory_space<vmem>> -> memref<1x128xi32, #tpu.memory_space<vmem>>
    %dma_start3A_40 = tpu.memref_squeeze %dma_start3A_39 : memref<1x128xi32, #tpu.memory_space<vmem>> -> memref<128xi32, #tpu.memory_space<vmem>>
    %dma_start3A_41 = arith.constant 0 : i32
    %dma_start3A_42 = arith.constant 0 : i32
    %dma_start3A_43 = tpu.memref_slice %arg3[%dma_start3A_41, %dma_start3A_42] : memref<100000x128xf32, #tpu.memory_space<hbm>> -> memref<100000x128xf32, #tpu.memory_space<hbm>>
    tpu.enqueue_indirect_dma source(%dma_start3A_43 : memref<100000x128xf32, #tpu.memory_space<hbm>>) target(%arg11 : memref<128x128xf32, #tpu.memory_space<vmem>>) offsets(%dma_start3A_40 : memref<128xi32, #tpu.memory_space<vmem>>) semaphore(%arg18 : memref<!tpu.dma_semaphore, #tpu.memory_space<semaphore_mem>>)
    %dma_start3A_44 = arith.constant 6 : i32
    %dma_start3A_45 = arith.constant 0 : i32
    %dma_start3A_46 = tpu.memref_slice %arg5[%dma_start3A_44, %dma_start3A_45] : memref<50x128xi32, #tpu.memory_space<vmem>> -> memref<1x128xi32, #tpu.memory_space<vmem>>
    %dma_start3A_47 = tpu.memref_squeeze %dma_start3A_46 : memref<1x128xi32, #tpu.memory_space<vmem>> -> memref<128xi32, #tpu.memory_space<vmem>>
    %dma_start3A_48 = arith.constant 0 : i32
    %dma_start3A_49 = arith.constant 0 : i32
    %dma_start3A_50 = tpu.memref_slice %arg3[%dma_start3A_48, %dma_start3A_49] : memref<100000x128xf32, #tpu.memory_space<hbm>> -> memref<100000x128xf32, #tpu.memory_space<hbm>>
    tpu.enqueue_indirect_dma source(%dma_start3A_50 : memref<100000x128xf32, #tpu.memory_space<hbm>>) target(%arg12 : memref<128x128xf32, #tpu.memory_space<vmem>>) offsets(%dma_start3A_47 : memref<128xi32, #tpu.memory_space<vmem>>) semaphore(%arg19 : memref<!tpu.dma_semaphore, #tpu.memory_space<semaphore_mem>>)
    %scan3A = arith.constant 0 : i32
    %scan3A_51 = arith.constant 0 : i32
    %scan3A_52 = arith.constant 6 : i32
    %scan3A_53 = arith.addi %scan3A_51, %scan3A_52 : i32
    %scan3A_54 = arith.constant 1 : i32
    scf.for %scan3A_198 = %scan3A_51 to %scan3A_53 step %scan3A_54  : i32 {
      %mul3A_199 = arith.constant 7 : i32
      %mul3A_200 = arith.muli %scan3A_198, %mul3A_199 : i32
      %dma_wait3A_201 = arith.constant 0 : i32
      %dma_wait3A_202 = arith.constant 0 : i32
      %dma_wait3A_203 = tpu.memref_slice %arg5[%dma_wait3A_201, %dma_wait3A_202] : memref<50x128xi32, #tpu.memory_space<vmem>> -> memref<1x128xi32, #tpu.memory_space<vmem>>
      %dma_wait3A_204 = tpu.memref_squeeze %dma_wait3A_203 : memref<1x128xi32, #tpu.memory_space<vmem>> -> memref<128xi32, #tpu.memory_space<vmem>>
      %dma_wait3A_205 = arith.constant 0 : i32
      %dma_wait3A_206 = arith.constant 0 : i32
      %dma_wait3A_207 = tpu.memref_slice %arg3[%dma_wait3A_205, %dma_wait3A_206] : memref<100000x128xf32, #tpu.memory_space<hbm>> -> memref<100000x128xf32, #tpu.memory_space<hbm>>
      tpu.wait_indirect_dma semaphore(%arg13 : memref<!tpu.dma_semaphore, #tpu.memory_space<semaphore_mem>>) src(%dma_wait3A_207 : memref<100000x128xf32, #tpu.memory_space<hbm>>) dst(%arg6 : memref<128x128xf32, #tpu.memory_space<vmem>>)
      %add3A_208 = arith.constant 0 : i32
      %add3A_209 = arith.addi %mul3A_200, %add3A_208 : i32
      %mul3A_210 = arith.constant 128 : i32
      %mul3A_211 = arith.muli %add3A_209, %mul3A_210 : i32
      %add3A_212 = arith.addi %mul3A_2, %mul3A_211 : i32
      %dma_start3A_213 = arith.constant 0 : i32
      %dma_start3A_214 = tpu.memref_slice %arg4[%add3A_212, %dma_start3A_213] : memref<204800x128xf32, #tpu.memory_space<hbm>> -> memref<128x128xf32, #tpu.memory_space<hbm>>
      %dma_start3A_215 = arith.constant 0 : i32
      %dma_start3A_216 = tpu.memref_slice %arg4[%add3A_212, %dma_start3A_215] : memref<204800x128xf32, #tpu.memory_space<hbm>> -> memref<128x128xf32, #tpu.memory_space<hbm>>
      tpu.enqueue_dma source(%arg6 : memref<128x128xf32, #tpu.memory_space<vmem>>) target(%dma_start3A_216 : memref<128x128xf32, #tpu.memory_space<hbm>>) target_semaphore(%arg20 : memref<!tpu.dma_semaphore, #tpu.memory_space<semaphore_mem>>)
      %dma_wait3A_217 = arith.constant 0 : i32
      %dma_wait3A_218 = arith.constant 0 : i32
      %dma_wait3A_219 = tpu.memref_slice %arg5[%dma_wait3A_217, %dma_wait3A_218] : memref<50x128xi32, #tpu.memory_space<vmem>> -> memref<1x128xi32, #tpu.memory_space<vmem>>
      %dma_wait3A_220 = tpu.memref_squeeze %dma_wait3A_219 : memref<1x128xi32, #tpu.memory_space<vmem>> -> memref<128xi32, #tpu.memory_space<vmem>>
      %dma_wait3A_221 = arith.constant 0 : i32
      %dma_wait3A_222 = arith.constant 0 : i32
      %dma_wait3A_223 = tpu.memref_slice %arg3[%dma_wait3A_221, %dma_wait3A_222] : memref<100000x128xf32, #tpu.memory_space<hbm>> -> memref<100000x128xf32, #tpu.memory_space<hbm>>
      tpu.wait_indirect_dma semaphore(%arg14 : memref<!tpu.dma_semaphore, #tpu.memory_space<semaphore_mem>>) src(%dma_wait3A_223 : memref<100000x128xf32, #tpu.memory_space<hbm>>) dst(%arg7 : memref<128x128xf32, #tpu.memory_space<vmem>>)
      %add3A_224 = arith.constant 1 : i32
      %add3A_225 = arith.addi %mul3A_200, %add3A_224 : i32
      %mul3A_226 = arith.constant 128 : i32
      %mul3A_227 = arith.muli %add3A_225, %mul3A_226 : i32
      %add3A_228 = arith.addi %mul3A_2, %mul3A_227 : i32
      %dma_start3A_229 = arith.constant 0 : i32
      %dma_start3A_230 = tpu.memref_slice %arg4[%add3A_228, %dma_start3A_229] : memref<204800x128xf32, #tpu.memory_space<hbm>> -> memref<128x128xf32, #tpu.memory_space<hbm>>
      %dma_start3A_231 = arith.constant 0 : i32
      %dma_start3A_232 = tpu.memref_slice %arg4[%add3A_228, %dma_start3A_231] : memref<204800x128xf32, #tpu.memory_space<hbm>> -> memref<128x128xf32, #tpu.memory_space<hbm>>
      tpu.enqueue_dma source(%arg7 : memref<128x128xf32, #tpu.memory_space<vmem>>) target(%dma_start3A_232 : memref<128x128xf32, #tpu.memory_space<hbm>>) target_semaphore(%arg21 : memref<!tpu.dma_semaphore, #tpu.memory_space<semaphore_mem>>)
      %dma_wait3A_233 = arith.constant 0 : i32
      %dma_wait3A_234 = arith.constant 0 : i32
      %dma_wait3A_235 = tpu.memref_slice %arg5[%dma_wait3A_233, %dma_wait3A_234] : memref<50x128xi32, #tpu.memory_space<vmem>> -> memref<1x128xi32, #tpu.memory_space<vmem>>
      %dma_wait3A_236 = tpu.memref_squeeze %dma_wait3A_235 : memref<1x128xi32, #tpu.memory_space<vmem>> -> memref<128xi32, #tpu.memory_space<vmem>>
      %dma_wait3A_237 = arith.constant 0 : i32
      %dma_wait3A_238 = arith.constant 0 : i32
      %dma_wait3A_239 = tpu.memref_slice %arg3[%dma_wait3A_237, %dma_wait3A_238] : memref<100000x128xf32, #tpu.memory_space<hbm>> -> memref<100000x128xf32, #tpu.memory_space<hbm>>
      tpu.wait_indirect_dma semaphore(%arg15 : memref<!tpu.dma_semaphore, #tpu.memory_space<semaphore_mem>>) src(%dma_wait3A_239 : memref<100000x128xf32, #tpu.memory_space<hbm>>) dst(%arg8 : memref<128x128xf32, #tpu.memory_space<vmem>>)
      %add3A_240 = arith.constant 2 : i32
      %add3A_241 = arith.addi %mul3A_200, %add3A_240 : i32
      %mul3A_242 = arith.constant 128 : i32
      %mul3A_243 = arith.muli %add3A_241, %mul3A_242 : i32
      %add3A_244 = arith.addi %mul3A_2, %mul3A_243 : i32
      %dma_start3A_245 = arith.constant 0 : i32
      %dma_start3A_246 = tpu.memref_slice %arg4[%add3A_244, %dma_start3A_245] : memref<204800x128xf32, #tpu.memory_space<hbm>> -> memref<128x128xf32, #tpu.memory_space<hbm>>
      %dma_start3A_247 = arith.constant 0 : i32
      %dma_start3A_248 = tpu.memref_slice %arg4[%add3A_244, %dma_start3A_247] : memref<204800x128xf32, #tpu.memory_space<hbm>> -> memref<128x128xf32, #tpu.memory_space<hbm>>
      tpu.enqueue_dma source(%arg8 : memref<128x128xf32, #tpu.memory_space<vmem>>) target(%dma_start3A_248 : memref<128x128xf32, #tpu.memory_space<hbm>>) target_semaphore(%arg22 : memref<!tpu.dma_semaphore, #tpu.memory_space<semaphore_mem>>)
      %dma_wait3A_249 = arith.constant 0 : i32
      %dma_wait3A_250 = arith.constant 0 : i32
      %dma_wait3A_251 = tpu.memref_slice %arg5[%dma_wait3A_249, %dma_wait3A_250] : memref<50x128xi32, #tpu.memory_space<vmem>> -> memref<1x128xi32, #tpu.memory_space<vmem>>
      %dma_wait3A_252 = tpu.memref_squeeze %dma_wait3A_251 : memref<1x128xi32, #tpu.memory_space<vmem>> -> memref<128xi32, #tpu.memory_space<vmem>>
      %dma_wait3A_253 = arith.constant 0 : i32
      %dma_wait3A_254 = arith.constant 0 : i32
      %dma_wait3A_255 = tpu.memref_slice %arg3[%dma_wait3A_253, %dma_wait3A_254] : memref<100000x128xf32, #tpu.memory_space<hbm>> -> memref<100000x128xf32, #tpu.memory_space<hbm>>
      tpu.wait_indirect_dma semaphore(%arg16 : memref<!tpu.dma_semaphore, #tpu.memory_space<semaphore_mem>>) src(%dma_wait3A_255 : memref<100000x128xf32, #tpu.memory_space<hbm>>) dst(%arg9 : memref<128x128xf32, #tpu.memory_space<vmem>>)
      %add3A_256 = arith.constant 3 : i32
      %add3A_257 = arith.addi %mul3A_200, %add3A_256 : i32
      %mul3A_258 = arith.constant 128 : i32
      %mul3A_259 = arith.muli %add3A_257, %mul3A_258 : i32
      %add3A_260 = arith.addi %mul3A_2, %mul3A_259 : i32
      %dma_start3A_261 = arith.constant 0 : i32
      %dma_start3A_262 = tpu.memref_slice %arg4[%add3A_260, %dma_start3A_261] : memref<204800x128xf32, #tpu.memory_space<hbm>> -> memref<128x128xf32, #tpu.memory_space<hbm>>
      %dma_start3A_263 = arith.constant 0 : i32
      %dma_start3A_264 = tpu.memref_slice %arg4[%add3A_260, %dma_start3A_263] : memref<204800x128xf32, #tpu.memory_space<hbm>> -> memref<128x128xf32, #tpu.memory_space<hbm>>
      tpu.enqueue_dma source(%arg9 : memref<128x128xf32, #tpu.memory_space<vmem>>) target(%dma_start3A_264 : memref<128x128xf32, #tpu.memory_space<hbm>>) target_semaphore(%arg23 : memref<!tpu.dma_semaphore, #tpu.memory_space<semaphore_mem>>)
      %dma_wait3A_265 = arith.constant 0 : i32
      %dma_wait3A_266 = arith.constant 0 : i32
      %dma_wait3A_267 = tpu.memref_slice %arg5[%dma_wait3A_265, %dma_wait3A_266] : memref<50x128xi32, #tpu.memory_space<vmem>> -> memref<1x128xi32, #tpu.memory_space<vmem>>
      %dma_wait3A_268 = tpu.memref_squeeze %dma_wait3A_267 : memref<1x128xi32, #tpu.memory_space<vmem>> -> memref<128xi32, #tpu.memory_space<vmem>>
      %dma_wait3A_269 = arith.constant 0 : i32
      %dma_wait3A_270 = arith.constant 0 : i32
      %dma_wait3A_271 = tpu.memref_slice %arg3[%dma_wait3A_269, %dma_wait3A_270] : memref<100000x128xf32, #tpu.memory_space<hbm>> -> memref<100000x128xf32, #tpu.memory_space<hbm>>
      tpu.wait_indirect_dma semaphore(%arg17 : memref<!tpu.dma_semaphore, #tpu.memory_space<semaphore_mem>>) src(%dma_wait3A_271 : memref<100000x128xf32, #tpu.memory_space<hbm>>) dst(%arg10 : memref<128x128xf32, #tpu.memory_space<vmem>>)
      %add3A_272 = arith.constant 4 : i32
      %add3A_273 = arith.addi %mul3A_200, %add3A_272 : i32
      %mul3A_274 = arith.constant 128 : i32
      %mul3A_275 = arith.muli %add3A_273, %mul3A_274 : i32
      %add3A_276 = arith.addi %mul3A_2, %mul3A_275 : i32
      %dma_start3A_277 = arith.constant 0 : i32
      %dma_start3A_278 = tpu.memref_slice %arg4[%add3A_276, %dma_start3A_277] : memref<204800x128xf32, #tpu.memory_space<hbm>> -> memref<128x128xf32, #tpu.memory_space<hbm>>
      %dma_start3A_279 = arith.constant 0 : i32
      %dma_start3A_280 = tpu.memref_slice %arg4[%add3A_276, %dma_start3A_279] : memref<204800x128xf32, #tpu.memory_space<hbm>> -> memref<128x128xf32, #tpu.memory_space<hbm>>
      tpu.enqueue_dma source(%arg10 : memref<128x128xf32, #tpu.memory_space<vmem>>) target(%dma_start3A_280 : memref<128x128xf32, #tpu.memory_space<hbm>>) target_semaphore(%arg24 : memref<!tpu.dma_semaphore, #tpu.memory_space<semaphore_mem>>)
      %dma_wait3A_281 = arith.constant 0 : i32
      %dma_wait3A_282 = arith.constant 0 : i32
      %dma_wait3A_283 = tpu.memref_slice %arg5[%dma_wait3A_281, %dma_wait3A_282] : memref<50x128xi32, #tpu.memory_space<vmem>> -> memref<1x128xi32, #tpu.memory_space<vmem>>
      %dma_wait3A_284 = tpu.memref_squeeze %dma_wait3A_283 : memref<1x128xi32, #tpu.memory_space<vmem>> -> memref<128xi32, #tpu.memory_space<vmem>>
      %dma_wait3A_285 = arith.constant 0 : i32
      %dma_wait3A_286 = arith.constant 0 : i32
      %dma_wait3A_287 = tpu.memref_slice %arg3[%dma_wait3A_285, %dma_wait3A_286] : memref<100000x128xf32, #tpu.memory_space<hbm>> -> memref<100000x128xf32, #tpu.memory_space<hbm>>
      tpu.wait_indirect_dma semaphore(%arg18 : memref<!tpu.dma_semaphore, #tpu.memory_space<semaphore_mem>>) src(%dma_wait3A_287 : memref<100000x128xf32, #tpu.memory_space<hbm>>) dst(%arg11 : memref<128x128xf32, #tpu.memory_space<vmem>>)
      %add3A_288 = arith.constant 5 : i32
      %add3A_289 = arith.addi %mul3A_200, %add3A_288 : i32
      %mul3A_290 = arith.constant 128 : i32
      %mul3A_291 = arith.muli %add3A_289, %mul3A_290 : i32
      %add3A_292 = arith.addi %mul3A_2, %mul3A_291 : i32
      %dma_start3A_293 = arith.constant 0 : i32
      %dma_start3A_294 = tpu.memref_slice %arg4[%add3A_292, %dma_start3A_293] : memref<204800x128xf32, #tpu.memory_space<hbm>> -> memref<128x128xf32, #tpu.memory_space<hbm>>
      %dma_start3A_295 = arith.constant 0 : i32
      %dma_start3A_296 = tpu.memref_slice %arg4[%add3A_292, %dma_start3A_295] : memref<204800x128xf32, #tpu.memory_space<hbm>> -> memref<128x128xf32, #tpu.memory_space<hbm>>
      tpu.enqueue_dma source(%arg11 : memref<128x128xf32, #tpu.memory_space<vmem>>) target(%dma_start3A_296 : memref<128x128xf32, #tpu.memory_space<hbm>>) target_semaphore(%arg25 : memref<!tpu.dma_semaphore, #tpu.memory_space<semaphore_mem>>)
      %dma_wait3A_297 = arith.constant 0 : i32
      %dma_wait3A_298 = arith.constant 0 : i32
      %dma_wait3A_299 = tpu.memref_slice %arg5[%dma_wait3A_297, %dma_wait3A_298] : memref<50x128xi32, #tpu.memory_space<vmem>> -> memref<1x128xi32, #tpu.memory_space<vmem>>
      %dma_wait3A_300 = tpu.memref_squeeze %dma_wait3A_299 : memref<1x128xi32, #tpu.memory_space<vmem>> -> memref<128xi32, #tpu.memory_space<vmem>>
      %dma_wait3A_301 = arith.constant 0 : i32
      %dma_wait3A_302 = arith.constant 0 : i32
      %dma_wait3A_303 = tpu.memref_slice %arg3[%dma_wait3A_301, %dma_wait3A_302] : memref<100000x128xf32, #tpu.memory_space<hbm>> -> memref<100000x128xf32, #tpu.memory_space<hbm>>
      tpu.wait_indirect_dma semaphore(%arg19 : memref<!tpu.dma_semaphore, #tpu.memory_space<semaphore_mem>>) src(%dma_wait3A_303 : memref<100000x128xf32, #tpu.memory_space<hbm>>) dst(%arg12 : memref<128x128xf32, #tpu.memory_space<vmem>>)
      %add3A_304 = arith.constant 6 : i32
      %add3A_305 = arith.addi %mul3A_200, %add3A_304 : i32
      %mul3A_306 = arith.constant 128 : i32
      %mul3A_307 = arith.muli %add3A_305, %mul3A_306 : i32
      %add3A_308 = arith.addi %mul3A_2, %mul3A_307 : i32
      %dma_start3A_309 = arith.constant 0 : i32
      %dma_start3A_310 = tpu.memref_slice %arg4[%add3A_308, %dma_start3A_309] : memref<204800x128xf32, #tpu.memory_space<hbm>> -> memref<128x128xf32, #tpu.memory_space<hbm>>
      %dma_start3A_311 = arith.constant 0 : i32
      %dma_start3A_312 = tpu.memref_slice %arg4[%add3A_308, %dma_start3A_311] : memref<204800x128xf32, #tpu.memory_space<hbm>> -> memref<128x128xf32, #tpu.memory_space<hbm>>
      tpu.enqueue_dma source(%arg12 : memref<128x128xf32, #tpu.memory_space<vmem>>) target(%dma_start3A_312 : memref<128x128xf32, #tpu.memory_space<hbm>>) target_semaphore(%arg26 : memref<!tpu.dma_semaphore, #tpu.memory_space<semaphore_mem>>)
      %dma_wait3A_313 = arith.constant 0 : i32
      %dma_wait3A_314 = tpu.memref_slice %arg4[%mul3A_2, %dma_wait3A_313] : memref<204800x128xf32, #tpu.memory_space<hbm>> -> memref<128x128xf32, #tpu.memory_space<hbm>>
      %dma_wait3A_315 = arith.constant 0 : i32
      %dma_wait3A_316 = tpu.memref_slice %arg4[%mul3A_2, %dma_wait3A_315] : memref<204800x128xf32, #tpu.memory_space<hbm>> -> memref<128x128xf32, #tpu.memory_space<hbm>>
      tpu.wait_dma2 semaphore(%arg20 : memref<!tpu.dma_semaphore, #tpu.memory_space<semaphore_mem>>) src(%arg6 : memref<128x128xf32, #tpu.memory_space<vmem>>) dst(%dma_wait3A_316 : memref<128x128xf32, #tpu.memory_space<hbm>>)
      %add3A_317 = arith.constant 7 : i32
      %add3A_318 = arith.addi %mul3A_200, %add3A_317 : i32
      %add3A_319 = arith.constant 0 : i32
      %add3A_320 = arith.addi %add3A_318, %add3A_319 : i32
      %dma_start3A_321 = arith.constant 0 : i32
      %dma_start3A_322 = tpu.memref_slice %arg5[%add3A_320, %dma_start3A_321] : memref<50x128xi32, #tpu.memory_space<vmem>> -> memref<1x128xi32, #tpu.memory_space<vmem>>
      %dma_start3A_323 = tpu.memref_squeeze %dma_start3A_322 : memref<1x128xi32, #tpu.memory_space<vmem>> -> memref<128xi32, #tpu.memory_space<vmem>>
      %dma_start3A_324 = arith.constant 0 : i32
      %dma_start3A_325 = arith.constant 0 : i32
      %dma_start3A_326 = tpu.memref_slice %arg3[%dma_start3A_324, %dma_start3A_325] : memref<100000x128xf32, #tpu.memory_space<hbm>> -> memref<100000x128xf32, #tpu.memory_space<hbm>>
      tpu.enqueue_indirect_dma source(%dma_start3A_326 : memref<100000x128xf32, #tpu.memory_space<hbm>>) target(%arg6 : memref<128x128xf32, #tpu.memory_space<vmem>>) offsets(%dma_start3A_323 : memref<128xi32, #tpu.memory_space<vmem>>) semaphore(%arg13 : memref<!tpu.dma_semaphore, #tpu.memory_space<semaphore_mem>>)
      %dma_wait3A_327 = arith.constant 0 : i32
      %dma_wait3A_328 = tpu.memref_slice %arg4[%mul3A_2, %dma_wait3A_327] : memref<204800x128xf32, #tpu.memory_space<hbm>> -> memref<128x128xf32, #tpu.memory_space<hbm>>
      %dma_wait3A_329 = arith.constant 0 : i32
      %dma_wait3A_330 = tpu.memref_slice %arg4[%mul3A_2, %dma_wait3A_329] : memref<204800x128xf32, #tpu.memory_space<hbm>> -> memref<128x128xf32, #tpu.memory_space<hbm>>
      tpu.wait_dma2 semaphore(%arg21 : memref<!tpu.dma_semaphore, #tpu.memory_space<semaphore_mem>>) src(%arg7 : memref<128x128xf32, #tpu.memory_space<vmem>>) dst(%dma_wait3A_330 : memref<128x128xf32, #tpu.memory_space<hbm>>)
      %add3A_331 = arith.constant 7 : i32
      %add3A_332 = arith.addi %mul3A_200, %add3A_331 : i32
      %add3A_333 = arith.constant 1 : i32
      %add3A_334 = arith.addi %add3A_332, %add3A_333 : i32
      %dma_start3A_335 = arith.constant 0 : i32
      %dma_start3A_336 = tpu.memref_slice %arg5[%add3A_334, %dma_start3A_335] : memref<50x128xi32, #tpu.memory_space<vmem>> -> memref<1x128xi32, #tpu.memory_space<vmem>>
      %dma_start3A_337 = tpu.memref_squeeze %dma_start3A_336 : memref<1x128xi32, #tpu.memory_space<vmem>> -> memref<128xi32, #tpu.memory_space<vmem>>
      %dma_start3A_338 = arith.constant 0 : i32
      %dma_start3A_339 = arith.constant 0 : i32
      %dma_start3A_340 = tpu.memref_slice %arg3[%dma_start3A_338, %dma_start3A_339] : memref<100000x128xf32, #tpu.memory_space<hbm>> -> memref<100000x128xf32, #tpu.memory_space<hbm>>
      tpu.enqueue_indirect_dma source(%dma_start3A_340 : memref<100000x128xf32, #tpu.memory_space<hbm>>) target(%arg7 : memref<128x128xf32, #tpu.memory_space<vmem>>) offsets(%dma_start3A_337 : memref<128xi32, #tpu.memory_space<vmem>>) semaphore(%arg14 : memref<!tpu.dma_semaphore, #tpu.memory_space<semaphore_mem>>)
      %dma_wait3A_341 = arith.constant 0 : i32
      %dma_wait3A_342 = tpu.memref_slice %arg4[%mul3A_2, %dma_wait3A_341] : memref<204800x128xf32, #tpu.memory_space<hbm>> -> memref<128x128xf32, #tpu.memory_space<hbm>>
      %dma_wait3A_343 = arith.constant 0 : i32
      %dma_wait3A_344 = tpu.memref_slice %arg4[%mul3A_2, %dma_wait3A_343] : memref<204800x128xf32, #tpu.memory_space<hbm>> -> memref<128x128xf32, #tpu.memory_space<hbm>>
      tpu.wait_dma2 semaphore(%arg22 : memref<!tpu.dma_semaphore, #tpu.memory_space<semaphore_mem>>) src(%arg8 : memref<128x128xf32, #tpu.memory_space<vmem>>) dst(%dma_wait3A_344 : memref<128x128xf32, #tpu.memory_space<hbm>>)
      %add3A_345 = arith.constant 7 : i32
      %add3A_346 = arith.addi %mul3A_200, %add3A_345 : i32
      %add3A_347 = arith.constant 2 : i32
      %add3A_348 = arith.addi %add3A_346, %add3A_347 : i32
      %dma_start3A_349 = arith.constant 0 : i32
      %dma_start3A_350 = tpu.memref_slice %arg5[%add3A_348, %dma_start3A_349] : memref<50x128xi32, #tpu.memory_space<vmem>> -> memref<1x128xi32, #tpu.memory_space<vmem>>
      %dma_start3A_351 = tpu.memref_squeeze %dma_start3A_350 : memref<1x128xi32, #tpu.memory_space<vmem>> -> memref<128xi32, #tpu.memory_space<vmem>>
      %dma_start3A_352 = arith.constant 0 : i32
      %dma_start3A_353 = arith.constant 0 : i32
      %dma_start3A_354 = tpu.memref_slice %arg3[%dma_start3A_352, %dma_start3A_353] : memref<100000x128xf32, #tpu.memory_space<hbm>> -> memref<100000x128xf32, #tpu.memory_space<hbm>>
      tpu.enqueue_indirect_dma source(%dma_start3A_354 : memref<100000x128xf32, #tpu.memory_space<hbm>>) target(%arg8 : memref<128x128xf32, #tpu.memory_space<vmem>>) offsets(%dma_start3A_351 : memref<128xi32, #tpu.memory_space<vmem>>) semaphore(%arg15 : memref<!tpu.dma_semaphore, #tpu.memory_space<semaphore_mem>>)
      %dma_wait3A_355 = arith.constant 0 : i32
      %dma_wait3A_356 = tpu.memref_slice %arg4[%mul3A_2, %dma_wait3A_355] : memref<204800x128xf32, #tpu.memory_space<hbm>> -> memref<128x128xf32, #tpu.memory_space<hbm>>
      %dma_wait3A_357 = arith.constant 0 : i32
      %dma_wait3A_358 = tpu.memref_slice %arg4[%mul3A_2, %dma_wait3A_357] : memref<204800x128xf32, #tpu.memory_space<hbm>> -> memref<128x128xf32, #tpu.memory_space<hbm>>
      tpu.wait_dma2 semaphore(%arg23 : memref<!tpu.dma_semaphore, #tpu.memory_space<semaphore_mem>>) src(%arg9 : memref<128x128xf32, #tpu.memory_space<vmem>>) dst(%dma_wait3A_358 : memref<128x128xf32, #tpu.memory_space<hbm>>)
      %add3A_359 = arith.constant 7 : i32
      %add3A_360 = arith.addi %mul3A_200, %add3A_359 : i32
      %add3A_361 = arith.constant 3 : i32
      %add3A_362 = arith.addi %add3A_360, %add3A_361 : i32
      %dma_start3A_363 = arith.constant 0 : i32
      %dma_start3A_364 = tpu.memref_slice %arg5[%add3A_362, %dma_start3A_363] : memref<50x128xi32, #tpu.memory_space<vmem>> -> memref<1x128xi32, #tpu.memory_space<vmem>>
      %dma_start3A_365 = tpu.memref_squeeze %dma_start3A_364 : memref<1x128xi32, #tpu.memory_space<vmem>> -> memref<128xi32, #tpu.memory_space<vmem>>
      %dma_start3A_366 = arith.constant 0 : i32
      %dma_start3A_367 = arith.constant 0 : i32
      %dma_start3A_368 = tpu.memref_slice %arg3[%dma_start3A_366, %dma_start3A_367] : memref<100000x128xf32, #tpu.memory_space<hbm>> -> memref<100000x128xf32, #tpu.memory_space<hbm>>
      tpu.enqueue_indirect_dma source(%dma_start3A_368 : memref<100000x128xf32, #tpu.memory_space<hbm>>) target(%arg9 : memref<128x128xf32, #tpu.memory_space<vmem>>) offsets(%dma_start3A_365 : memref<128xi32, #tpu.memory_space<vmem>>) semaphore(%arg16 : memref<!tpu.dma_semaphore, #tpu.memory_space<semaphore_mem>>)
      %dma_wait3A_369 = arith.constant 0 : i32
      %dma_wait3A_370 = tpu.memref_slice %arg4[%mul3A_2, %dma_wait3A_369] : memref<204800x128xf32, #tpu.memory_space<hbm>> -> memref<128x128xf32, #tpu.memory_space<hbm>>
      %dma_wait3A_371 = arith.constant 0 : i32
      %dma_wait3A_372 = tpu.memref_slice %arg4[%mul3A_2, %dma_wait3A_371] : memref<204800x128xf32, #tpu.memory_space<hbm>> -> memref<128x128xf32, #tpu.memory_space<hbm>>
      tpu.wait_dma2 semaphore(%arg24 : memref<!tpu.dma_semaphore, #tpu.memory_space<semaphore_mem>>) src(%arg10 : memref<128x128xf32, #tpu.memory_space<vmem>>) dst(%dma_wait3A_372 : memref<128x128xf32, #tpu.memory_space<hbm>>)
      %add3A_373 = arith.constant 7 : i32
      %add3A_374 = arith.addi %mul3A_200, %add3A_373 : i32
      %add3A_375 = arith.constant 4 : i32
      %add3A_376 = arith.addi %add3A_374, %add3A_375 : i32
      %dma_start3A_377 = arith.constant 0 : i32
      %dma_start3A_378 = tpu.memref_slice %arg5[%add3A_376, %dma_start3A_377] : memref<50x128xi32, #tpu.memory_space<vmem>> -> memref<1x128xi32, #tpu.memory_space<vmem>>
      %dma_start3A_379 = tpu.memref_squeeze %dma_start3A_378 : memref<1x128xi32, #tpu.memory_space<vmem>> -> memref<128xi32, #tpu.memory_space<vmem>>
      %dma_start3A_380 = arith.constant 0 : i32
      %dma_start3A_381 = arith.constant 0 : i32
      %dma_start3A_382 = tpu.memref_slice %arg3[%dma_start3A_380, %dma_start3A_381] : memref<100000x128xf32, #tpu.memory_space<hbm>> -> memref<100000x128xf32, #tpu.memory_space<hbm>>
      tpu.enqueue_indirect_dma source(%dma_start3A_382 : memref<100000x128xf32, #tpu.memory_space<hbm>>) target(%arg10 : memref<128x128xf32, #tpu.memory_space<vmem>>) offsets(%dma_start3A_379 : memref<128xi32, #tpu.memory_space<vmem>>) semaphore(%arg17 : memref<!tpu.dma_semaphore, #tpu.memory_space<semaphore_mem>>)
      %dma_wait3A_383 = arith.constant 0 : i32
      %dma_wait3A_384 = tpu.memref_slice %arg4[%mul3A_2, %dma_wait3A_383] : memref<204800x128xf32, #tpu.memory_space<hbm>> -> memref<128x128xf32, #tpu.memory_space<hbm>>
      %dma_wait3A_385 = arith.constant 0 : i32
      %dma_wait3A_386 = tpu.memref_slice %arg4[%mul3A_2, %dma_wait3A_385] : memref<204800x128xf32, #tpu.memory_space<hbm>> -> memref<128x128xf32, #tpu.memory_space<hbm>>
      tpu.wait_dma2 semaphore(%arg25 : memref<!tpu.dma_semaphore, #tpu.memory_space<semaphore_mem>>) src(%arg11 : memref<128x128xf32, #tpu.memory_space<vmem>>) dst(%dma_wait3A_386 : memref<128x128xf32, #tpu.memory_space<hbm>>)
      %add3A_387 = arith.constant 7 : i32
      %add3A_388 = arith.addi %mul3A_200, %add3A_387 : i32
      %add3A_389 = arith.constant 5 : i32
      %add3A_390 = arith.addi %add3A_388, %add3A_389 : i32
      %dma_start3A_391 = arith.constant 0 : i32
      %dma_start3A_392 = tpu.memref_slice %arg5[%add3A_390, %dma_start3A_391] : memref<50x128xi32, #tpu.memory_space<vmem>> -> memref<1x128xi32, #tpu.memory_space<vmem>>
      %dma_start3A_393 = tpu.memref_squeeze %dma_start3A_392 : memref<1x128xi32, #tpu.memory_space<vmem>> -> memref<128xi32, #tpu.memory_space<vmem>>
      %dma_start3A_394 = arith.constant 0 : i32
      %dma_start3A_395 = arith.constant 0 : i32
      %dma_start3A_396 = tpu.memref_slice %arg3[%dma_start3A_394, %dma_start3A_395] : memref<100000x128xf32, #tpu.memory_space<hbm>> -> memref<100000x128xf32, #tpu.memory_space<hbm>>
      tpu.enqueue_indirect_dma source(%dma_start3A_396 : memref<100000x128xf32, #tpu.memory_space<hbm>>) target(%arg11 : memref<128x128xf32, #tpu.memory_space<vmem>>) offsets(%dma_start3A_393 : memref<128xi32, #tpu.memory_space<vmem>>) semaphore(%arg18 : memref<!tpu.dma_semaphore, #tpu.memory_space<semaphore_mem>>)
      %dma_wait3A_397 = arith.constant 0 : i32
      %dma_wait3A_398 = tpu.memref_slice %arg4[%mul3A_2, %dma_wait3A_397] : memref<204800x128xf32, #tpu.memory_space<hbm>> -> memref<128x128xf32, #tpu.memory_space<hbm>>
      %dma_wait3A_399 = arith.constant 0 : i32
      %dma_wait3A_400 = tpu.memref_slice %arg4[%mul3A_2, %dma_wait3A_399] : memref<204800x128xf32, #tpu.memory_space<hbm>> -> memref<128x128xf32, #tpu.memory_space<hbm>>
      tpu.wait_dma2 semaphore(%arg26 : memref<!tpu.dma_semaphore, #tpu.memory_space<semaphore_mem>>) src(%arg12 : memref<128x128xf32, #tpu.memory_space<vmem>>) dst(%dma_wait3A_400 : memref<128x128xf32, #tpu.memory_space<hbm>>)
      %add3A_401 = arith.constant 7 : i32
      %add3A_402 = arith.addi %mul3A_200, %add3A_401 : i32
      %add3A_403 = arith.constant 6 : i32
      %add3A_404 = arith.addi %add3A_402, %add3A_403 : i32
      %dma_start3A_405 = arith.constant 0 : i32
      %dma_start3A_406 = tpu.memref_slice %arg5[%add3A_404, %dma_start3A_405] : memref<50x128xi32, #tpu.memory_space<vmem>> -> memref<1x128xi32, #tpu.memory_space<vmem>>
      %dma_start3A_407 = tpu.memref_squeeze %dma_start3A_406 : memref<1x128xi32, #tpu.memory_space<vmem>> -> memref<128xi32, #tpu.memory_space<vmem>>
      %dma_start3A_408 = arith.constant 0 : i32
      %dma_start3A_409 = arith.constant 0 : i32
      %dma_start3A_410 = tpu.memref_slice %arg3[%dma_start3A_408, %dma_start3A_409] : memref<100000x128xf32, #tpu.memory_space<hbm>> -> memref<100000x128xf32, #tpu.memory_space<hbm>>
      tpu.enqueue_indirect_dma source(%dma_start3A_410 : memref<100000x128xf32, #tpu.memory_space<hbm>>) target(%arg12 : memref<128x128xf32, #tpu.memory_space<vmem>>) offsets(%dma_start3A_407 : memref<128xi32, #tpu.memory_space<vmem>>) semaphore(%arg19 : memref<!tpu.dma_semaphore, #tpu.memory_space<semaphore_mem>>)
    }
    %scan3A_55 = arith.constant 6 : i32
    %dma_wait3A = arith.constant 0 : i32
    %dma_wait3A_56 = arith.constant 0 : i32
    %dma_wait3A_57 = tpu.memref_slice %arg5[%dma_wait3A, %dma_wait3A_56] : memref<50x128xi32, #tpu.memory_space<vmem>> -> memref<1x128xi32, #tpu.memory_space<vmem>>
    %dma_wait3A_58 = tpu.memref_squeeze %dma_wait3A_57 : memref<1x128xi32, #tpu.memory_space<vmem>> -> memref<128xi32, #tpu.memory_space<vmem>>
    %dma_wait3A_59 = arith.constant 0 : i32
    %dma_wait3A_60 = arith.constant 0 : i32
    %dma_wait3A_61 = tpu.memref_slice %arg3[%dma_wait3A_59, %dma_wait3A_60] : memref<100000x128xf32, #tpu.memory_space<hbm>> -> memref<100000x128xf32, #tpu.memory_space<hbm>>
    tpu.wait_indirect_dma semaphore(%arg13 : memref<!tpu.dma_semaphore, #tpu.memory_space<semaphore_mem>>) src(%dma_wait3A_61 : memref<100000x128xf32, #tpu.memory_space<hbm>>) dst(%arg6 : memref<128x128xf32, #tpu.memory_space<vmem>>)
    %add3A_62 = arith.constant 5376 : i32
    %add3A_63 = arith.addi %mul3A_2, %add3A_62 : i32
    %dma_start3A_64 = arith.constant 0 : i32
    %dma_start3A_65 = tpu.memref_slice %arg4[%add3A_63, %dma_start3A_64] : memref<204800x128xf32, #tpu.memory_space<hbm>> -> memref<128x128xf32, #tpu.memory_space<hbm>>
    %dma_start3A_66 = arith.constant 0 : i32
    %dma_start3A_67 = tpu.memref_slice %arg4[%add3A_63, %dma_start3A_66] : memref<204800x128xf32, #tpu.memory_space<hbm>> -> memref<128x128xf32, #tpu.memory_space<hbm>>
    tpu.enqueue_dma source(%arg6 : memref<128x128xf32, #tpu.memory_space<vmem>>) target(%dma_start3A_67 : memref<128x128xf32, #tpu.memory_space<hbm>>) target_semaphore(%arg20 : memref<!tpu.dma_semaphore, #tpu.memory_space<semaphore_mem>>)
    %dma_wait3A_68 = arith.constant 0 : i32
    %dma_wait3A_69 = arith.constant 0 : i32
    %dma_wait3A_70 = tpu.memref_slice %arg5[%dma_wait3A_68, %dma_wait3A_69] : memref<50x128xi32, #tpu.memory_space<vmem>> -> memref<1x128xi32, #tpu.memory_space<vmem>>
    %dma_wait3A_71 = tpu.memref_squeeze %dma_wait3A_70 : memref<1x128xi32, #tpu.memory_space<vmem>> -> memref<128xi32, #tpu.memory_space<vmem>>
    %dma_wait3A_72 = arith.constant 0 : i32
    %dma_wait3A_73 = arith.constant 0 : i32
    %dma_wait3A_74 = tpu.memref_slice %arg3[%dma_wait3A_72, %dma_wait3A_73] : memref<100000x128xf32, #tpu.memory_space<hbm>> -> memref<100000x128xf32, #tpu.memory_space<hbm>>
    tpu.wait_indirect_dma semaphore(%arg14 : memref<!tpu.dma_semaphore, #tpu.memory_space<semaphore_mem>>) src(%dma_wait3A_74 : memref<100000x128xf32, #tpu.memory_space<hbm>>) dst(%arg7 : memref<128x128xf32, #tpu.memory_space<vmem>>)
    %add3A_75 = arith.constant 5504 : i32
    %add3A_76 = arith.addi %mul3A_2, %add3A_75 : i32
    %dma_start3A_77 = arith.constant 0 : i32
    %dma_start3A_78 = tpu.memref_slice %arg4[%add3A_76, %dma_start3A_77] : memref<204800x128xf32, #tpu.memory_space<hbm>> -> memref<128x128xf32, #tpu.memory_space<hbm>>
    %dma_start3A_79 = arith.constant 0 : i32
    %dma_start3A_80 = tpu.memref_slice %arg4[%add3A_76, %dma_start3A_79] : memref<204800x128xf32, #tpu.memory_space<hbm>> -> memref<128x128xf32, #tpu.memory_space<hbm>>
    tpu.enqueue_dma source(%arg7 : memref<128x128xf32, #tpu.memory_space<vmem>>) target(%dma_start3A_80 : memref<128x128xf32, #tpu.memory_space<hbm>>) target_semaphore(%arg21 : memref<!tpu.dma_semaphore, #tpu.memory_space<semaphore_mem>>)
    %dma_wait3A_81 = arith.constant 0 : i32
    %dma_wait3A_82 = arith.constant 0 : i32
    %dma_wait3A_83 = tpu.memref_slice %arg5[%dma_wait3A_81, %dma_wait3A_82] : memref<50x128xi32, #tpu.memory_space<vmem>> -> memref<1x128xi32, #tpu.memory_space<vmem>>
    %dma_wait3A_84 = tpu.memref_squeeze %dma_wait3A_83 : memref<1x128xi32, #tpu.memory_space<vmem>> -> memref<128xi32, #tpu.memory_space<vmem>>
    %dma_wait3A_85 = arith.constant 0 : i32
    %dma_wait3A_86 = arith.constant 0 : i32
    %dma_wait3A_87 = tpu.memref_slice %arg3[%dma_wait3A_85, %dma_wait3A_86] : memref<100000x128xf32, #tpu.memory_space<hbm>> -> memref<100000x128xf32, #tpu.memory_space<hbm>>
    tpu.wait_indirect_dma semaphore(%arg15 : memref<!tpu.dma_semaphore, #tpu.memory_space<semaphore_mem>>) src(%dma_wait3A_87 : memref<100000x128xf32, #tpu.memory_space<hbm>>) dst(%arg8 : memref<128x128xf32, #tpu.memory_space<vmem>>)
    %add3A_88 = arith.constant 5632 : i32
    %add3A_89 = arith.addi %mul3A_2, %add3A_88 : i32
    %dma_start3A_90 = arith.constant 0 : i32
    %dma_start3A_91 = tpu.memref_slice %arg4[%add3A_89, %dma_start3A_90] : memref<204800x128xf32, #tpu.memory_space<hbm>> -> memref<128x128xf32, #tpu.memory_space<hbm>>
    %dma_start3A_92 = arith.constant 0 : i32
    %dma_start3A_93 = tpu.memref_slice %arg4[%add3A_89, %dma_start3A_92] : memref<204800x128xf32, #tpu.memory_space<hbm>> -> memref<128x128xf32, #tpu.memory_space<hbm>>
    tpu.enqueue_dma source(%arg8 : memref<128x128xf32, #tpu.memory_space<vmem>>) target(%dma_start3A_93 : memref<128x128xf32, #tpu.memory_space<hbm>>) target_semaphore(%arg22 : memref<!tpu.dma_semaphore, #tpu.memory_space<semaphore_mem>>)
    %dma_wait3A_94 = arith.constant 0 : i32
    %dma_wait3A_95 = arith.constant 0 : i32
    %dma_wait3A_96 = tpu.memref_slice %arg5[%dma_wait3A_94, %dma_wait3A_95] : memref<50x128xi32, #tpu.memory_space<vmem>> -> memref<1x128xi32, #tpu.memory_space<vmem>>
    %dma_wait3A_97 = tpu.memref_squeeze %dma_wait3A_96 : memref<1x128xi32, #tpu.memory_space<vmem>> -> memref<128xi32, #tpu.memory_space<vmem>>
    %dma_wait3A_98 = arith.constant 0 : i32
    %dma_wait3A_99 = arith.constant 0 : i32
    %dma_wait3A_100 = tpu.memref_slice %arg3[%dma_wait3A_98, %dma_wait3A_99] : memref<100000x128xf32, #tpu.memory_space<hbm>> -> memref<100000x128xf32, #tpu.memory_space<hbm>>
    tpu.wait_indirect_dma semaphore(%arg16 : memref<!tpu.dma_semaphore, #tpu.memory_space<semaphore_mem>>) src(%dma_wait3A_100 : memref<100000x128xf32, #tpu.memory_space<hbm>>) dst(%arg9 : memref<128x128xf32, #tpu.memory_space<vmem>>)
    %add3A_101 = arith.constant 5760 : i32
    %add3A_102 = arith.addi %mul3A_2, %add3A_101 : i32
    %dma_start3A_103 = arith.constant 0 : i32
    %dma_start3A_104 = tpu.memref_slice %arg4[%add3A_102, %dma_start3A_103] : memref<204800x128xf32, #tpu.memory_space<hbm>> -> memref<128x128xf32, #tpu.memory_space<hbm>>
    %dma_start3A_105 = arith.constant 0 : i32
    %dma_start3A_106 = tpu.memref_slice %arg4[%add3A_102, %dma_start3A_105] : memref<204800x128xf32, #tpu.memory_space<hbm>> -> memref<128x128xf32, #tpu.memory_space<hbm>>
    tpu.enqueue_dma source(%arg9 : memref<128x128xf32, #tpu.memory_space<vmem>>) target(%dma_start3A_106 : memref<128x128xf32, #tpu.memory_space<hbm>>) target_semaphore(%arg23 : memref<!tpu.dma_semaphore, #tpu.memory_space<semaphore_mem>>)
    %dma_wait3A_107 = arith.constant 0 : i32
    %dma_wait3A_108 = arith.constant 0 : i32
    %dma_wait3A_109 = tpu.memref_slice %arg5[%dma_wait3A_107, %dma_wait3A_108] : memref<50x128xi32, #tpu.memory_space<vmem>> -> memref<1x128xi32, #tpu.memory_space<vmem>>
    %dma_wait3A_110 = tpu.memref_squeeze %dma_wait3A_109 : memref<1x128xi32, #tpu.memory_space<vmem>> -> memref<128xi32, #tpu.memory_space<vmem>>
    %dma_wait3A_111 = arith.constant 0 : i32
    %dma_wait3A_112 = arith.constant 0 : i32
    %dma_wait3A_113 = tpu.memref_slice %arg3[%dma_wait3A_111, %dma_wait3A_112] : memref<100000x128xf32, #tpu.memory_space<hbm>> -> memref<100000x128xf32, #tpu.memory_space<hbm>>
    tpu.wait_indirect_dma semaphore(%arg17 : memref<!tpu.dma_semaphore, #tpu.memory_space<semaphore_mem>>) src(%dma_wait3A_113 : memref<100000x128xf32, #tpu.memory_space<hbm>>) dst(%arg10 : memref<128x128xf32, #tpu.memory_space<vmem>>)
    %add3A_114 = arith.constant 5888 : i32
    %add3A_115 = arith.addi %mul3A_2, %add3A_114 : i32
    %dma_start3A_116 = arith.constant 0 : i32
    %dma_start3A_117 = tpu.memref_slice %arg4[%add3A_115, %dma_start3A_116] : memref<204800x128xf32, #tpu.memory_space<hbm>> -> memref<128x128xf32, #tpu.memory_space<hbm>>
    %dma_start3A_118 = arith.constant 0 : i32
    %dma_start3A_119 = tpu.memref_slice %arg4[%add3A_115, %dma_start3A_118] : memref<204800x128xf32, #tpu.memory_space<hbm>> -> memref<128x128xf32, #tpu.memory_space<hbm>>
    tpu.enqueue_dma source(%arg10 : memref<128x128xf32, #tpu.memory_space<vmem>>) target(%dma_start3A_119 : memref<128x128xf32, #tpu.memory_space<hbm>>) target_semaphore(%arg24 : memref<!tpu.dma_semaphore, #tpu.memory_space<semaphore_mem>>)
    %dma_wait3A_120 = arith.constant 0 : i32
    %dma_wait3A_121 = arith.constant 0 : i32
    %dma_wait3A_122 = tpu.memref_slice %arg5[%dma_wait3A_120, %dma_wait3A_121] : memref<50x128xi32, #tpu.memory_space<vmem>> -> memref<1x128xi32, #tpu.memory_space<vmem>>
    %dma_wait3A_123 = tpu.memref_squeeze %dma_wait3A_122 : memref<1x128xi32, #tpu.memory_space<vmem>> -> memref<128xi32, #tpu.memory_space<vmem>>
    %dma_wait3A_124 = arith.constant 0 : i32
    %dma_wait3A_125 = arith.constant 0 : i32
    %dma_wait3A_126 = tpu.memref_slice %arg3[%dma_wait3A_124, %dma_wait3A_125] : memref<100000x128xf32, #tpu.memory_space<hbm>> -> memref<100000x128xf32, #tpu.memory_space<hbm>>
    tpu.wait_indirect_dma semaphore(%arg18 : memref<!tpu.dma_semaphore, #tpu.memory_space<semaphore_mem>>) src(%dma_wait3A_126 : memref<100000x128xf32, #tpu.memory_space<hbm>>) dst(%arg11 : memref<128x128xf32, #tpu.memory_space<vmem>>)
    %add3A_127 = arith.constant 6016 : i32
    %add3A_128 = arith.addi %mul3A_2, %add3A_127 : i32
    %dma_start3A_129 = arith.constant 0 : i32
    %dma_start3A_130 = tpu.memref_slice %arg4[%add3A_128, %dma_start3A_129] : memref<204800x128xf32, #tpu.memory_space<hbm>> -> memref<128x128xf32, #tpu.memory_space<hbm>>
    %dma_start3A_131 = arith.constant 0 : i32
    %dma_start3A_132 = tpu.memref_slice %arg4[%add3A_128, %dma_start3A_131] : memref<204800x128xf32, #tpu.memory_space<hbm>> -> memref<128x128xf32, #tpu.memory_space<hbm>>
    tpu.enqueue_dma source(%arg11 : memref<128x128xf32, #tpu.memory_space<vmem>>) target(%dma_start3A_132 : memref<128x128xf32, #tpu.memory_space<hbm>>) target_semaphore(%arg25 : memref<!tpu.dma_semaphore, #tpu.memory_space<semaphore_mem>>)
    %dma_wait3A_133 = arith.constant 0 : i32
    %dma_wait3A_134 = arith.constant 0 : i32
    %dma_wait3A_135 = tpu.memref_slice %arg5[%dma_wait3A_133, %dma_wait3A_134] : memref<50x128xi32, #tpu.memory_space<vmem>> -> memref<1x128xi32, #tpu.memory_space<vmem>>
    %dma_wait3A_136 = tpu.memref_squeeze %dma_wait3A_135 : memref<1x128xi32, #tpu.memory_space<vmem>> -> memref<128xi32, #tpu.memory_space<vmem>>
    %dma_wait3A_137 = arith.constant 0 : i32
    %dma_wait3A_138 = arith.constant 0 : i32
    %dma_wait3A_139 = tpu.memref_slice %arg3[%dma_wait3A_137, %dma_wait3A_138] : memref<100000x128xf32, #tpu.memory_space<hbm>> -> memref<100000x128xf32, #tpu.memory_space<hbm>>
    tpu.wait_indirect_dma semaphore(%arg19 : memref<!tpu.dma_semaphore, #tpu.memory_space<semaphore_mem>>) src(%dma_wait3A_139 : memref<100000x128xf32, #tpu.memory_space<hbm>>) dst(%arg12 : memref<128x128xf32, #tpu.memory_space<vmem>>)
    %add3A_140 = arith.constant 6144 : i32
    %add3A_141 = arith.addi %mul3A_2, %add3A_140 : i32
    %dma_start3A_142 = arith.constant 0 : i32
    %dma_start3A_143 = tpu.memref_slice %arg4[%add3A_141, %dma_start3A_142] : memref<204800x128xf32, #tpu.memory_space<hbm>> -> memref<128x128xf32, #tpu.memory_space<hbm>>
    %dma_start3A_144 = arith.constant 0 : i32
    %dma_start3A_145 = tpu.memref_slice %arg4[%add3A_141, %dma_start3A_144] : memref<204800x128xf32, #tpu.memory_space<hbm>> -> memref<128x128xf32, #tpu.memory_space<hbm>>
    tpu.enqueue_dma source(%arg12 : memref<128x128xf32, #tpu.memory_space<vmem>>) target(%dma_start3A_145 : memref<128x128xf32, #tpu.memory_space<hbm>>) target_semaphore(%arg26 : memref<!tpu.dma_semaphore, #tpu.memory_space<semaphore_mem>>)
    %dma_wait3A_146 = arith.constant 0 : i32
    %dma_wait3A_147 = tpu.memref_slice %arg4[%mul3A_2, %dma_wait3A_146] : memref<204800x128xf32, #tpu.memory_space<hbm>> -> memref<128x128xf32, #tpu.memory_space<hbm>>
    %dma_wait3A_148 = arith.constant 0 : i32
    %dma_wait3A_149 = tpu.memref_slice %arg4[%mul3A_2, %dma_wait3A_148] : memref<204800x128xf32, #tpu.memory_space<hbm>> -> memref<128x128xf32, #tpu.memory_space<hbm>>
    tpu.wait_dma2 semaphore(%arg20 : memref<!tpu.dma_semaphore, #tpu.memory_space<semaphore_mem>>) src(%arg6 : memref<128x128xf32, #tpu.memory_space<vmem>>) dst(%dma_wait3A_149 : memref<128x128xf32, #tpu.memory_space<hbm>>)
    %dma_start3A_150 = arith.constant 49 : i32
    %dma_start3A_151 = arith.constant 0 : i32
    %dma_start3A_152 = tpu.memref_slice %arg5[%dma_start3A_150, %dma_start3A_151] : memref<50x128xi32, #tpu.memory_space<vmem>> -> memref<1x128xi32, #tpu.memory_space<vmem>>
    %dma_start3A_153 = tpu.memref_squeeze %dma_start3A_152 : memref<1x128xi32, #tpu.memory_space<vmem>> -> memref<128xi32, #tpu.memory_space<vmem>>
    %dma_start3A_154 = arith.constant 0 : i32
    %dma_start3A_155 = arith.constant 0 : i32
    %dma_start3A_156 = tpu.memref_slice %arg3[%dma_start3A_154, %dma_start3A_155] : memref<100000x128xf32, #tpu.memory_space<hbm>> -> memref<100000x128xf32, #tpu.memory_space<hbm>>
    tpu.enqueue_indirect_dma source(%dma_start3A_156 : memref<100000x128xf32, #tpu.memory_space<hbm>>) target(%arg6 : memref<128x128xf32, #tpu.memory_space<vmem>>) offsets(%dma_start3A_153 : memref<128xi32, #tpu.memory_space<vmem>>) semaphore(%arg13 : memref<!tpu.dma_semaphore, #tpu.memory_space<semaphore_mem>>)
    %dma_wait3A_157 = arith.constant 0 : i32
    %dma_wait3A_158 = arith.constant 0 : i32
    %dma_wait3A_159 = tpu.memref_slice %arg5[%dma_wait3A_157, %dma_wait3A_158] : memref<50x128xi32, #tpu.memory_space<vmem>> -> memref<1x128xi32, #tpu.memory_space<vmem>>
    %dma_wait3A_160 = tpu.memref_squeeze %dma_wait3A_159 : memref<1x128xi32, #tpu.memory_space<vmem>> -> memref<128xi32, #tpu.memory_space<vmem>>
    %dma_wait3A_161 = arith.constant 0 : i32
    %dma_wait3A_162 = arith.constant 0 : i32
    %dma_wait3A_163 = tpu.memref_slice %arg3[%dma_wait3A_161, %dma_wait3A_162] : memref<100000x128xf32, #tpu.memory_space<hbm>> -> memref<100000x128xf32, #tpu.memory_space<hbm>>
    tpu.wait_indirect_dma semaphore(%arg13 : memref<!tpu.dma_semaphore, #tpu.memory_space<semaphore_mem>>) src(%dma_wait3A_163 : memref<100000x128xf32, #tpu.memory_space<hbm>>) dst(%arg6 : memref<128x128xf32, #tpu.memory_space<vmem>>)
    %add3A_164 = arith.constant 6272 : i32
    %add3A_165 = arith.addi %mul3A_2, %add3A_164 : i32
    %dma_start3A_166 = arith.constant 0 : i32
    %dma_start3A_167 = tpu.memref_slice %arg4[%add3A_165, %dma_start3A_166] : memref<204800x128xf32, #tpu.memory_space<hbm>> -> memref<128x128xf32, #tpu.memory_space<hbm>>
    %dma_start3A_168 = arith.constant 0 : i32
    %dma_start3A_169 = tpu.memref_slice %arg4[%add3A_165, %dma_start3A_168] : memref<204800x128xf32, #tpu.memory_space<hbm>> -> memref<128x128xf32, #tpu.memory_space<hbm>>
    tpu.enqueue_dma source(%arg6 : memref<128x128xf32, #tpu.memory_space<vmem>>) target(%dma_start3A_169 : memref<128x128xf32, #tpu.memory_space<hbm>>) target_semaphore(%arg20 : memref<!tpu.dma_semaphore, #tpu.memory_space<semaphore_mem>>)
    %dma_wait3A_170 = arith.constant 0 : i32
    %dma_wait3A_171 = tpu.memref_slice %arg4[%mul3A_2, %dma_wait3A_170] : memref<204800x128xf32, #tpu.memory_space<hbm>> -> memref<128x128xf32, #tpu.memory_space<hbm>>
    %dma_wait3A_172 = arith.constant 0 : i32
    %dma_wait3A_173 = tpu.memref_slice %arg4[%mul3A_2, %dma_wait3A_172] : memref<204800x128xf32, #tpu.memory_space<hbm>> -> memref<128x128xf32, #tpu.memory_space<hbm>>
    tpu.wait_dma2 semaphore(%arg20 : memref<!tpu.dma_semaphore, #tpu.memory_space<semaphore_mem>>) src(%arg6 : memref<128x128xf32, #tpu.memory_space<vmem>>) dst(%dma_wait3A_173 : memref<128x128xf32, #tpu.memory_space<hbm>>)
    %dma_wait3A_174 = arith.constant 0 : i32
    %dma_wait3A_175 = tpu.memref_slice %arg4[%mul3A_2, %dma_wait3A_174] : memref<204800x128xf32, #tpu.memory_space<hbm>> -> memref<128x128xf32, #tpu.memory_space<hbm>>
    %dma_wait3A_176 = arith.constant 0 : i32
    %dma_wait3A_177 = tpu.memref_slice %arg4[%mul3A_2, %dma_wait3A_176] : memref<204800x128xf32, #tpu.memory_space<hbm>> -> memref<128x128xf32, #tpu.memory_space<hbm>>
    tpu.wait_dma2 semaphore(%arg21 : memref<!tpu.dma_semaphore, #tpu.memory_space<semaphore_mem>>) src(%arg7 : memref<128x128xf32, #tpu.memory_space<vmem>>) dst(%dma_wait3A_177 : memref<128x128xf32, #tpu.memory_space<hbm>>)
    %dma_wait3A_178 = arith.constant 0 : i32
    %dma_wait3A_179 = tpu.memref_slice %arg4[%mul3A_2, %dma_wait3A_178] : memref<204800x128xf32, #tpu.memory_space<hbm>> -> memref<128x128xf32, #tpu.memory_space<hbm>>
    %dma_wait3A_180 = arith.constant 0 : i32
    %dma_wait3A_181 = tpu.memref_slice %arg4[%mul3A_2, %dma_wait3A_180] : memref<204800x128xf32, #tpu.memory_space<hbm>> -> memref<128x128xf32, #tpu.memory_space<hbm>>
    tpu.wait_dma2 semaphore(%arg22 : memref<!tpu.dma_semaphore, #tpu.memory_space<semaphore_mem>>) src(%arg8 : memref<128x128xf32, #tpu.memory_space<vmem>>) dst(%dma_wait3A_181 : memref<128x128xf32, #tpu.memory_space<hbm>>)
    %dma_wait3A_182 = arith.constant 0 : i32
    %dma_wait3A_183 = tpu.memref_slice %arg4[%mul3A_2, %dma_wait3A_182] : memref<204800x128xf32, #tpu.memory_space<hbm>> -> memref<128x128xf32, #tpu.memory_space<hbm>>
    %dma_wait3A_184 = arith.constant 0 : i32
    %dma_wait3A_185 = tpu.memref_slice %arg4[%mul3A_2, %dma_wait3A_184] : memref<204800x128xf32, #tpu.memory_space<hbm>> -> memref<128x128xf32, #tpu.memory_space<hbm>>
    tpu.wait_dma2 semaphore(%arg23 : memref<!tpu.dma_semaphore, #tpu.memory_space<semaphore_mem>>) src(%arg9 : memref<128x128xf32, #tpu.memory_space<vmem>>) dst(%dma_wait3A_185 : memref<128x128xf32, #tpu.memory_space<hbm>>)
    %dma_wait3A_186 = arith.constant 0 : i32
    %dma_wait3A_187 = tpu.memref_slice %arg4[%mul3A_2, %dma_wait3A_186] : memref<204800x128xf32, #tpu.memory_space<hbm>> -> memref<128x128xf32, #tpu.memory_space<hbm>>
    %dma_wait3A_188 = arith.constant 0 : i32
    %dma_wait3A_189 = tpu.memref_slice %arg4[%mul3A_2, %dma_wait3A_188] : memref<204800x128xf32, #tpu.memory_space<hbm>> -> memref<128x128xf32, #tpu.memory_space<hbm>>
    tpu.wait_dma2 semaphore(%arg24 : memref<!tpu.dma_semaphore, #tpu.memory_space<semaphore_mem>>) src(%arg10 : memref<128x128xf32, #tpu.memory_space<vmem>>) dst(%dma_wait3A_189 : memref<128x128xf32, #tpu.memory_space<hbm>>)
    %dma_wait3A_190 = arith.constant 0 : i32
    %dma_wait3A_191 = tpu.memref_slice %arg4[%mul3A_2, %dma_wait3A_190] : memref<204800x128xf32, #tpu.memory_space<hbm>> -> memref<128x128xf32, #tpu.memory_space<hbm>>
    %dma_wait3A_192 = arith.constant 0 : i32
    %dma_wait3A_193 = tpu.memref_slice %arg4[%mul3A_2, %dma_wait3A_192] : memref<204800x128xf32, #tpu.memory_space<hbm>> -> memref<128x128xf32, #tpu.memory_space<hbm>>
    tpu.wait_dma2 semaphore(%arg25 : memref<!tpu.dma_semaphore, #tpu.memory_space<semaphore_mem>>) src(%arg11 : memref<128x128xf32, #tpu.memory_space<vmem>>) dst(%dma_wait3A_193 : memref<128x128xf32, #tpu.memory_space<hbm>>)
    %dma_wait3A_194 = arith.constant 0 : i32
    %dma_wait3A_195 = tpu.memref_slice %arg4[%mul3A_2, %dma_wait3A_194] : memref<204800x128xf32, #tpu.memory_space<hbm>> -> memref<128x128xf32, #tpu.memory_space<hbm>>
    %dma_wait3A_196 = arith.constant 0 : i32
    %dma_wait3A_197 = tpu.memref_slice %arg4[%mul3A_2, %dma_wait3A_196] : memref<204800x128xf32, #tpu.memory_space<hbm>> -> memref<128x128xf32, #tpu.memory_space<hbm>>
    tpu.wait_dma2 semaphore(%arg26 : memref<!tpu.dma_semaphore, #tpu.memory_space<semaphore_mem>>) src(%arg12 : memref<128x128xf32, #tpu.memory_space<vmem>>) dst(%dma_wait3A_197 : memref<128x128xf32, #tpu.memory_space<hbm>>)
    return
  }
}

</mosaic_0001>

<sc_bundles>
// kernel: kernel.3.cloned.1.call-start
scs
__scs_entry_jumppad:
0x0: {  	(pc) =	sbr.rel $0x88, $3  }
0x1: {  	(tag) =	ssettag $0x0;
	lr =	simm.s32 $0x1  }
0x2: {  	[smem:$0x3F9F] =	sst lr;
	_ =	strace $0xD0000000  }
0x3: {  	_ = 	snop  }
0x4: {  	_ = 	snop  }
0x5: {  	_ = 	snop  }
0x6: {  	_ = 	snop  }
0x7: {  	_ = 	snop  }
__scs_overlays_trampoline_lowered:
0x8: {  	[smem:$0x3FAE] =	sst s0  }
0x9: {  	[smem:$0x3FAF] =	sst s1  }
0xa: {  	[smem:$0x3FB0] =	sst s2  }
0xb: {  	[smem:$0x3FB1] =	sst s3  }
0xc: {  	[smem:$0x3FB2] =	sst s4  }
0xd: {  	[smem:$0x3FB3] =	sst s5  }
0xe: {  	[smem:$0x3FB4] =	sst s6  }
0xf: {  	[smem:$0x3FB5] =	sst s7  }
0x10: {  	[smem:$0x3FB6] =	sst s8  }
0x11: {  	[smem:$0x3FB7] =	sst s9;
	s0 =	simm.s32 @!p0 $0x0  }
0x12: {  	s1 =	sld [smem:$0x3F9D];
	s0 =	simm.s32 @p0 $0x1  }
0x13: {  	[smem:$0x3FB8] =	sst s0;
	s0 =	simm.s32 @!p1 $0x0  }
0x14: {  	s2 =	sld [smem:$0x3F9C];
	s0 =	simm.s32 @p1 $0x1  }
0x15: {  	[smem:$0x3FB9] =	sst s0;
	s0 =	simm.s32 @!p2 $0x0  }
0x16: {  	s3 =	sld [smem:$0x3FDB];
	s0 =	simm.s32 @p2 $0x1  }
0x17: {  	s4 =	simm.s32 $0x1BF5;
	[smem:$0x3FBB] =	sst s0  }
0x18: {  	s0 =	sld [smem:$0x3F9E];
	_ =	swait.ge [sflag:s4], $0x0  }
0x19: {  	s7 =	sld [smem:$0x3F9F]  }
0x1a: {  	s8 =	sadd.s32 $0xFFFFE003, lr  }
0x1b: {  	s9 =	sadd.s32 $0xFFFFFEF7, lr;
	s5 =	simm.s32 $0xFFFFFFFF;
	p2 =	slt.u32 s8, $0xFFFFF086  }
0x1c: {  	p1 =	slt.u32 s9, $0xF7A;
	s5 =	simm.s32 @!p2 $0x0  }
0x1d: {  	s5 =	simm.s32 @p1 $0x1;
	p0 =	seq.s32 s7, s2  }
0x1e: {  	s7 =	smul.u32 @!p0 $0xF7A, s2;
	p2 =	seq.s32 @!p0 s5, $0x0  }
0x1f: {  	s9 =	smul.u32 $0xF7A, s1;
	s8 =	simm.s32 @!p0 $0x1BF5;
	p2 =	por !p2, p0  }
0x20: {  	[sflag:s8] =	ssyncset.s32 @!p0 $0xFFFFF086;
	s6 =	sadd.s32 @!p0 s3, s7;
	s7 =	simm.s32 @!p0 $0x108  }
0x21: {  	s3 =	sadd.s32 s3, s9;
	s6 =	sadd.s32 @!p0 $0x88, s6;
	s7 =	simm.s32 @p2 $0x1082  }
0x22: {  	[simem:s7], [sflag:s8] =	dma.local @!p0 [hbm:s6], $0xF7A  }
0x23: {  	s9 =	sor.u32 $0xD0000000, s2;
	s6 =	simm.s32 $0x108;
	_ =	swait.ge @!p0 [sflag:s8], $0x0  }
0x24: {  	s3 =	sadd.s32 $0x88, s3;
	s6 =	simm.s32 @!p1 $0x1082;
	[sflag:s4] =	ssyncset.s32 $0xFFFFF086  }
0x25: {  	[simem:s6], [sflag:s4] =	dma.local [hbm:s3], $0xF7A  }
0x26: {  	[smem:$0x3F9F] =	sst s1;
	(tag) =	ssettag s2;
	_ =	strace s9  }
0x27: {  	s1 =	sld [smem:$0x3FAF]  }
0x28: {  	s2 =	sld [smem:$0x3FB0]  }
0x29: {  	s4 =	sld [smem:$0x3FB2]  }
0x2a: {  	p0 =	seq.s32 s5, $0x0;
	s5 =	sld [smem:$0x3FB3]  }
0x2b: {  	s6 =	sld [smem:$0x3FB4]  }
0x2c: {  	s7 =	sld [smem:$0x3FB5]  }
0x2d: {  	s3 =	simm.s32 $0x108;
	s8 =	sld [smem:$0x3FB6]  }
0x2e: {  	s3 =	simm.s32 @!p0 $0x1082;
	s9 =	sld [smem:$0x3FB7]  }
0x2f: {  	lr =	sadd.s32 s0, s3;
	s0 =	sld [smem:$0x3FAE]  }
0x30: {  	s3 =	sld [smem:$0x3FB1]  }
0x31: {  	[smem:$0x3FBA] =	sst s10  }
0x32: {  	s10 =	sld [smem:$0x3FB8];
	_ =	sdelay $0x3  }
0x33: {  	p0 =	seq.s32 s10, $0x1;
	s10 =	sld [smem:$0x3FBA];
	_ =	sdelay $0x3  }
0x34: {  	[smem:$0x3FBA] =	sst s10  }
0x35: {  	s10 =	sld [smem:$0x3FB9];
	_ =	sdelay $0x3  }
0x36: {  	p1 =	seq.s32 s10, $0x1;
	s10 =	sld [smem:$0x3FBA];
	_ =	sdelay $0x3  }
0x37: {  	[smem:$0x3FBA] =	sst s10  }
0x38: {  	s10 =	sld [smem:$0x3FBB]  }
0x39: {  	_ = 	snop;
	(pc) =	sbr.ind lr, $3  }
0x3a: {  	_ = 	snop  }
0x3b: {  	_ = 	snop  }
0x3c: {  	p2 =	seq.s32 s10, $0x1;
	s10 =	sld [smem:$0x3FBA]  }
0x3d: {  	_ =	shalt  }
0x3e: {  	_ =	shalt  }
0x3f: {  	_ =	shalt  }
0x40: {  	_ =	shalt  }
0x41: {  	_ =	shalt  }
0x42: {  	_ =	shalt  }
0x43: {  	_ =	shalt  }
0x44: {  	_ =	shalt  }
0x45: {  	_ =	shalt  }
0x46: {  	_ =	shalt  }
0x47: {  	_ =	shalt  }
0x48: {  	_ =	shalt  }
0x49: {  	_ =	shalt  }
0x4a: {  	_ =	shalt  }
0x4b: {  	_ =	shalt  }
0x4c: {  	_ =	shalt  }
0x4d: {  	_ =	shalt  }
0x4e: {  	_ =	shalt  }
0x4f: {  	_ =	shalt  }
0x50: {  	_ =	shalt  }
0x51: {  	_ =	shalt  }
0x52: {  	_ =	shalt  }
0x53: {  	_ =	shalt  }
0x54: {  	_ =	shalt  }
0x55: {  	_ =	shalt  }
0x56: {  	_ =	shalt  }
0x57: {  	_ =	shalt  }
0x58: {  	_ =	shalt  }
0x59: {  	_ =	shalt  }
0x5a: {  	_ =	shalt  }
0x5b: {  	_ =	shalt  }
0x5c: {  	_ =	shalt  }
0x5d: {  	_ =	shalt  }
0x5e: {  	_ =	shalt  }
0x5f: {  	_ =	shalt  }
0x60: {  	_ =	shalt  }
0x61: {  	_ =	shalt  }
0x62: {  	_ =	shalt  }
0x63: {  	_ =	shalt  }
0x64: {  	_ =	shalt  }
0x65: {  	_ =	shalt  }
0x66: {  	_ =	shalt  }
0x67: {  	_ =	shalt  }
0x68: {  	_ =	shalt  }
0x69: {  	_ =	shalt  }
0x6a: {  	_ =	shalt  }
0x6b: {  	_ =	shalt  }
0x6c: {  	_ =	shalt  }
0x6d: {  	_ =	shalt  }
0x6e: {  	_ =	shalt  }
0x6f: {  	_ =	shalt  }
0x70: {  	_ =	shalt  }
0x71: {  	_ =	shalt  }
0x72: {  	_ =	shalt  }
0x73: {  	_ =	shalt  }
0x74: {  	_ =	shalt  }
0x75: {  	_ =	shalt  }
0x76: {  	_ =	shalt  }
0x77: {  	_ =	shalt  }
0x78: {  	_ =	shalt  }
0x79: {  	_ =	shalt  }
0x7a: {  	_ =	shalt  }
0x7b: {  	_ =	shalt  }
0x7c: {  	_ =	shalt  }
0x7d: {  	_ =	shalt  }
0x7e: {  	_ =	shalt  }
0x7f: {  	_ =	shalt  }
0x80: {  	_ =	shalt  }
0x81: {  	_ =	shalt  }
0x82: {  	_ =	shalt  }
0x83: {  	_ =	shalt  }
0x84: {  	_ =	shalt  }
0x85: {  	_ =	shalt  }
0x86: {  	_ =	shalt  }
0x87: {  	_ =	shalt  }
.Lfunc_end0:
.L_simem_size_0:
called_computation_lowered:
.L_overlay_start_0:
0x88: {  	s2 =	sld [smem:$0x3FD9]  }
0x89: {  	s3 =	sld [smem:$0x3FFE];
	_ =	sdelay $0x1  }
0x8a: {  	s1 =	srdreg.scid  }
0x8b: {  	s0 =	sand.u32 $0x1, s1  }
0x8c: {  	s17 =	sshll.u32 s0, $0xA;
	s2 =	sadd.s32 s3, s2  }
0x8d: {  	s2 =	sadd.s32 s2, s17  }
0x8e: {  	[smem:$0x3FC6] =	sst s2  }
0x8f: {  	_ = 	snop  }
0x90: {  	s2 =	sld [smem:$0x3FC8]  }
0x91: {  	s18 =	sld [smem:$0x3FD0];
	(tm) =	ssettm $0x1  }
0x92: {  	s4 =	sld [smem:$0x3FFB];
	_ =	sdelay $0x3  }
0x93: {  	_ =	strace s4  }
0x94: {  	s4 =	sld [smem:$0x3FFC];
	_ =	sdelay $0x3  }
0x95: {  	_ =	strace s4  }
0x96: {  	s4 =	sld [smem:$0x3FFD];
	_ =	sdelay $0x3  }
0x97: {  	_ =	strace s4  }
0x98: {  	_ =	strace $0x8FFFFFFF  }
0x99: {  	s19 =	sld [smem:$0x3FDB];
	_ =	sdelay $0x1  }
0x9a: {  	s5 =	simm.s32 $_scs_section_size  }
0x9b: {  	s6 =	simm.s32 $_size__tile_overlayer_lowered;
	s7 =	simm.s32 $_tile_overlayer_lowered  }
0x9c: {  	s22 =	simm.s32 $0x1BFF;
	s21 =	sshll.u32 s7, $0x1;
	s4 =	sadd.s32 s5, s19  }
0x9d: {  	s8 =	simm.s32 $0x0;
	s20 =	sshll.u32 s6, $0x1;
	s6 =	sadd.s32 s21, s4  }
0x9e: {  	[timem:s8], [sflag:s22] =	dma.local [hbm:s6], s20  }
0x9f: {  	_ =	swait.ge [sflag:s22], s20  }
0xa0: {  	s5 =	ssub.s32 $0x0, s20;
	[sflag:s22] =	ssyncset.done $0x0  }
0xa1: {  	[sflag:s22] =	ssyncadd.s32 s5;
	_ =	sdelay $0x1  }
0xa2: {  	s23 =	simm.s32 $0x1B8B  }
0xa3: {  	_ =	swait.ge [sflag:s23], $0x1  }
0xa4: {  	[sflag:s23] =	ssyncset.done $0x0  }
0xa5: {  	s25 =	simm.s32 $0x1B8E;
	s24 =	sld [smem:$0x3FFE];
	[sflag:s23] =	ssyncadd.s32 $0xFFFFFFFF  }
0xa6: {  	s26 =	simm.s32 $execute0_lowered;
	[smem:$0x3FD2] =	sst s25  }
0xa7: {  	s6 =	sshll.u32 s26, $0x1;
	_ =	strace $0x80000046;
	[dreg:$0x1] =	wrdreg $0xFFFFFFFF  }
0xa8: {  	s28 =	simm.s32 $_size_execute0_lowered;
	s4 =	sadd.s32 s4, s6;
	[dreg:$0x0] =	wrdreg $0x0  }
0xa9: {  	s6 =	sshll.u32 s28, $0x1;
	[dreg:$0x2] =	wrdreg s4  }
0xaa: {  	[dreg:$0x3] =	wrdreg s6  }
0xab: {  	[dreg:$0x4] =	wrdreg $0xC0  }
0xac: {  	_ =	task [dreg:s8], $0x5FFFF  }
0xad: {  	[dreg:$0x1] =	wrdreg $0xFFFFFFFF  }
0xae: {  	[dreg:$0x0] =	wrdreg $0x60  }
0xaf: {  	[dreg:$0x2] =	wrdreg s24  }
0xb0: {  	[dreg:$0x3] =	wrdreg s2  }
0xb1: {  	[dreg:$0x4] =	wrdreg s18  }
0xb2: {  	[dreg:$0x5] =	wrdreg $0x9  }
0xb3: {  	_ =	task.clear_ibuf [dreg:s8], $0x6FFFF;
	_ =	strace $0x90000046  }
0xb4: {  	s29 =	simm.s32 $0x9;
	_ =	strace $0x80000048  }
0xb5: {  	_ =	swait.ge [sflag:s29], $0x1  }
0xb6: {  	[sflag:s29] =	ssyncadd.s32 $0xFFFFFFFF  }
0xb7: {  	_ =	strace $0x90000048  }
0xb8: {  	_ =	sfence  }
0xb9: {  	s30 =	sld [smem:$0x0];
	_ =	sdelay $0x2  }
0xba: {  	s31 =	sshll.u32 s1, $0xD;
	s1 =	sshrl.u32 s1, $0x2  }
0xbb: {  	s3 =	sand.u32 $0x4000, s31;
	s1 =	sadd.s32 s1, s30  }
0xbc: {  	s0 =	sor.u32 s3, s0;
	s1 =	sshll.u32 s1, $0x11  }
0xbd: {  	s0 =	sor.u32 s1, s0  }
0xbe: {  	s0 =	sadd.s32 $0x8F2B, s0  }
0xbf: {  	[sflag:s0] =	ssyncadd.remote.s32 $0x1  }
0xc0: {  	_ =	sfence.sel $0xFFFF  }
0xc1: {  	[dreg:$0x0] =	wrdreg $0xFFFFFFFF;
	(pc) =	sbr.abs _section_cstart, $3  }
0xc2: {  	[dreg:$0x1] =	wrdreg $0xFFFFFFFF  }
0xc3: {  	_ =	task.clear_ibuf [dreg:s8], $0x2FFFF;
	_ =	strace $0x9FFFFFFF  }
0xc4: {  	(tm) =	ssettm $0x7FFFFFFF  }
0xc5: {  	_ =	shalt  }
tec
execute0_lowered:
.L_overlay_start_1:
0x0: {  	(tag) =	ssettag $0x1  }
0x1: {  	s0 =	rddreg [dreg:$0x0]  }
0x2: {  	s1 =	srdreg.scid;
	s2 =	rddreg [dreg:$0x1]  }
0x3: {  	s9 =	stileid.u32;
	s4 =	rddreg [dreg:$0x2]  }
0x4: {  	s15 =	simm.s32 $0xF;
	s29 =	simm.s32 $0x19C00;
	s30 =	simm.s32 $0x1  }
0x5: {  	s31 =	simm.s32 $0x2;
	s1 =	sand.u32 $0x1, s1;
	s3 =	sshll.u32 s9, $0x1  }
0x6: {  	s28 =	simm.s32 $0x9;
	s18 =	smul.u32 $0x32000, s9;
	s5 =	sor.u32 s1, s3  }
0x7: {  	s3 =	simm.s32 $0x0;
	s7 =	ssub.s32 $0x2, s1;
	s1 =	smul.u32 $0x19000, s1  }
0x8: {  	s9 =	simm.s32 $0x0;
	s6 =	smul.u32 $0xC8000, s5;
	[smem:$0x7FF] =	sst s3  }
0x9: {  	s5 =	smul.u32 $0x380, s5;
	s8 =	sshrl.u32 s7, $0x1;
	_ =	strace $0x80000047  }
0xa: {  	s16 =	ssub.s32 s7, s8;
	s7 =	simm.s32 $0xD;
	s8 =	simm.s32 $0xE  }
0xb: {  	s6 =	sshrl.u32 s6, $0x3;
	s0 =	sadd.s32 s5, s0;
	s26 =	smax.u32 s16, $0x1  }
0xc: {  	s6 =	sadd.s32 s4, s6;
	s0 =	sadd.s32 $0x400, s0;
	[dreg:$0xd] =	wrdreg s26  }
0xd: {  	s16 =	simm.s32 $0x80;
	[dreg:$0x4] =	wrdreg s0;
	s17 =	sadd.s32 $0x15000, s6  }
0xe: {  	s5 =	simm.s32 $0xB;
	s19 =	sadd.s32 $0x15800, s6;
	[dreg:$0x5] =	wrdreg s17  }
0xf: {  	s26 =	simm.s32 $0x15C00;
	s20 =	sadd.s32 $0x16000, s6;
	[dreg:$0x6] =	wrdreg s19  }
0x10: {  	s21 =	sadd.s32 $0x16800, s6;
	s22 =	sadd.s32 $0x17000, s6;
	[dreg:$0x7] =	wrdreg s20  }
0x11: {  	s0 =	sadd.s32 s18, s4;
	s23 =	sadd.s32 $0x17800, s6;
	[dreg:$0x8] =	wrdreg s21  }
0x12: {  	s24 =	sadd.s32 $0x18000, s6;
	s25 =	sadd.s32 $0x18800, s6;
	[dreg:$0x9] =	wrdreg s22  }
0x13: {  	s18 =	simm.s32 $0x5C00;
	s4 =	simm.s32 $0xA;
	[dreg:$0xa] =	wrdreg s23  }
0x14: {  	s6 =	simm.s32 $0xC;
	[dreg:$0xb] =	wrdreg s24;
	s0 =	sadd.s32 s1, s0  }
0x15: {  	[dreg:$0xc] =	wrdreg s25;
	s17 =	simm.s32 $0x1C00;
	s20 =	simm.s32 $0x9C00  }
0x16: {  	s22 =	simm.s32 $0xDC00;
	s24 =	simm.s32 $0x11C00;
	s1 =	simm.s32 $0x3  }
0x17: {  	s19 =	simm.s32 $0x5;
	s21 =	simm.s32 $0x6;
	s23 =	simm.s32 $0x7  }
0x18: {  	s25 =	simm.s32 $0x8;
	s14 =	sadd.s32 $0x3000, s0;
	s0 =	simm.s32 $0x4  }
.LBB2_1:
0x19: {  	s10 =	rddreg [dreg:$0x4]  }
0x1a: {  	[tilespmem:s3], [sflag:$0xF] =	stream.linear.gather [hbm4b:s10+s3], $0x1900, $0x38;
	[tilespmem:$0x1DC00] =	vst v63  }
0x1b: {  	_ =	swait.ge [sflag:s15], $0x1900  }
0x1c: {  	[sflag:s15] =	ssyncset.done $0x0  }
0x1d: {  	[sflag:s15] =	ssyncadd.s32 $0xFFFFE700  }
0x1e: {  	[tilespmem:s17], [sflag:$0x1] =	stream.indirect.gather [hbm4b:s2+s16], $0x80, s3, s16, $0xb8;
	[tilespmem:$0x1DC00] =	vst v63  }
0x1f: {  	_ = 	snop  }
0x20: {  	[tilespmem:s18], [sflag:$0x2] =	stream.indirect.gather [hbm4b:s2+s16], $0x80, s16, s16, $0xb8;
	[tilespmem:$0x1DC00] =	vst v63  }
0x21: {  	s12 =	simm.s32 $0x100  }
0x22: {  	[tilespmem:s20], [sflag:$0x3] =	stream.indirect.gather [hbm4b:s2+s16], $0x80, s12, s16, $0xb8;
	[tilespmem:$0x1DC00] =	vst v63  }
0x23: {  	s13 =	simm.s32 $0x180  }
0x24: {  	[tilespmem:s22], [sflag:$0x4] =	stream.indirect.gather [hbm4b:s2+s16], $0x80, s13, s16, $0xb8;
	[tilespmem:$0x1DC00] =	vst v63  }
0x25: {  	s11 =	simm.s32 $0x200  }
0x26: {  	[tilespmem:s24], [sflag:$0x5] =	stream.indirect.gather [hbm4b:s2+s16], $0x80, s11, s16, $0xb8;
	[tilespmem:$0x1DC00] =	vst v63  }
0x27: {  	s12 =	simm.s32 $0x280  }
0x28: {  	[tilespmem:s26], [sflag:$0x6] =	stream.indirect.gather [hbm4b:s2+s16], $0x80, s12, s16, $0xb8;
	[tilespmem:$0x1DC00] =	vst v63  }
0x29: {  	s13 =	simm.s32 $0x300  }
0x2a: {  	[tilespmem:s29], [sflag:$0x7] =	stream.indirect.gather [hbm4b:s2+s16], $0x80, s13, s16, $0xb8;
	[tilespmem:$0x1DC00] =	vst v63  }
0x2b: {  	_ =	swait.ge [sflag:s30], $0x4000  }
0x2c: {  	[sflag:s30] =	ssyncset.done $0x0  }
0x2d: {  	s11 =	sadd.s32 $0xFFFFD000, s14;
	[sflag:s30] =	ssyncadd.s32 $0xFFFFC000  }
0x2e: {  	[hbm4b:s11+s3] =	stream.linear.scatter [tilespmem:s17], [sflag:$0x8], $0x4000, $0x38;
	[tilespmem:$0x1DC00] =	vst v63  }
0x2f: {  	_ =	swait.ge [sflag:s31], $0x4000  }
0x30: {  	[sflag:s31] =	ssyncset.done $0x0  }
0x31: {  	s12 =	sadd.s32 $0xFFFFD800, s14;
	[sflag:s31] =	ssyncadd.s32 $0xFFFFC000  }
0x32: {  	[hbm4b:s12+s3] =	stream.linear.scatter [tilespmem:s18], [sflag:$0x9], $0x4000, $0x38;
	[tilespmem:$0x1DC00] =	vst v63  }
0x33: {  	_ =	swait.ge [sflag:s1], $0x4000  }
0x34: {  	[sflag:s1] =	ssyncset.done $0x0  }
0x35: {  	s13 =	sadd.s32 $0xFFFFE000, s14;
	[sflag:s1] =	ssyncadd.s32 $0xFFFFC000  }
0x36: {  	[hbm4b:s13+s3] =	stream.linear.scatter [tilespmem:s20], [sflag:$0xA], $0x4000, $0x38;
	[tilespmem:$0x1DC00] =	vst v63  }
0x37: {  	_ =	swait.ge [sflag:s0], $0x4000  }
0x38: {  	[sflag:s0] =	ssyncset.done $0x0  }
0x39: {  	s11 =	sadd.s32 $0xFFFFE800, s14;
	[sflag:s0] =	ssyncadd.s32 $0xFFFFC000  }
0x3a: {  	[hbm4b:s11+s3] =	stream.linear.scatter [tilespmem:s22], [sflag:$0xB], $0x4000, $0x38;
	[tilespmem:$0x1DC00] =	vst v63  }
0x3b: {  	_ =	swait.ge [sflag:s19], $0x4000  }
0x3c: {  	[sflag:s19] =	ssyncset.done $0x0  }
0x3d: {  	s12 =	sadd.s32 $0xFFFFF000, s14;
	[sflag:s19] =	ssyncadd.s32 $0xFFFFC000  }
0x3e: {  	[hbm4b:s12+s3] =	stream.linear.scatter [tilespmem:s24], [sflag:$0xC], $0x4000, $0x38;
	[tilespmem:$0x1DC00] =	vst v63  }
0x3f: {  	_ =	swait.ge [sflag:s21], $0x4000  }
0x40: {  	[sflag:s21] =	ssyncset.done $0x0  }
0x41: {  	s13 =	sadd.s32 $0xFFFFF800, s14;
	[sflag:s21] =	ssyncadd.s32 $0xFFFFC000  }
0x42: {  	[hbm4b:s13+s3] =	stream.linear.scatter [tilespmem:s26], [sflag:$0xD], $0x4000, $0x38;
	[tilespmem:$0x1DC00] =	vst v63  }
0x43: {  	_ =	swait.ge [sflag:s23], $0x4000  }
0x44: {  	[sflag:s23] =	ssyncset.done $0x0  }
0x45: {  	[sflag:s23] =	ssyncadd.s32 $0xFFFFC000  }
0x46: {  	[hbm4b:s14+s3] =	stream.linear.scatter [tilespmem:s29], [sflag:$0xE], $0x4000, $0x38;
	[tilespmem:$0x1DC00] =	vst v63  }
0x47: {  	_ =	swait.ge [sflag:s25], $0x4000  }
0x48: {  	[sflag:s25] =	ssyncset.done $0x0  }
0x49: {  	s11 =	simm.s32 $0x380;
	[sflag:s25] =	ssyncadd.s32 $0xFFFFC000  }
0x4a: {  	[tilespmem:s17], [sflag:$0x1] =	stream.indirect.gather [hbm4b:s2+s16], $0x80, s11, s16, $0xb8;
	[tilespmem:$0x1DC00] =	vst v63  }
0x4b: {  	_ =	swait.ge [sflag:s28], $0x4000  }
0x4c: {  	[sflag:s28] =	ssyncset.done $0x0  }
0x4d: {  	s12 =	simm.s32 $0x400;
	[sflag:s28] =	ssyncadd.s32 $0xFFFFC000  }
0x4e: {  	[tilespmem:s18], [sflag:$0x2] =	stream.indirect.gather [hbm4b:s2+s16], $0x80, s12, s16, $0xb8;
	[tilespmem:$0x1DC00] =	vst v63  }
0x4f: {  	_ =	swait.ge [sflag:s4], $0x4000  }
0x50: {  	[sflag:s4] =	ssyncset.done $0x0  }
0x51: {  	s13 =	simm.s32 $0x480;
	[sflag:s4] =	ssyncadd.s32 $0xFFFFC000  }
0x52: {  	[tilespmem:s20], [sflag:$0x3] =	stream.indirect.gather [hbm4b:s2+s16], $0x80, s13, s16, $0xb8;
	[tilespmem:$0x1DC00] =	vst v63  }
0x53: {  	_ =	swait.ge [sflag:s5], $0x4000  }
0x54: {  	[sflag:s5] =	ssyncset.done $0x0  }
0x55: {  	s11 =	simm.s32 $0x500;
	[sflag:s5] =	ssyncadd.s32 $0xFFFFC000  }
0x56: {  	[tilespmem:s22], [sflag:$0x4] =	stream.indirect.gather [hbm4b:s2+s16], $0x80, s11, s16, $0xb8;
	[tilespmem:$0x1DC00] =	vst v63  }
0x57: {  	_ =	swait.ge [sflag:s6], $0x4000  }
0x58: {  	[sflag:s6] =	ssyncset.done $0x0  }
0x59: {  	s12 =	simm.s32 $0x580;
	[sflag:s6] =	ssyncadd.s32 $0xFFFFC000  }
0x5a: {  	[tilespmem:s24], [sflag:$0x5] =	stream.indirect.gather [hbm4b:s2+s16], $0x80, s12, s16, $0xb8;
	[tilespmem:$0x1DC00] =	vst v63  }
0x5b: {  	_ =	swait.ge [sflag:s7], $0x4000  }
0x5c: {  	[sflag:s7] =	ssyncset.done $0x0  }
0x5d: {  	s13 =	simm.s32 $0x600;
	[sflag:s7] =	ssyncadd.s32 $0xFFFFC000  }
0x5e: {  	[tilespmem:s26], [sflag:$0x6] =	stream.indirect.gather [hbm4b:s2+s16], $0x80, s13, s16, $0xb8;
	[tilespmem:$0x1DC00] =	vst v63  }
0x5f: {  	_ =	swait.ge [sflag:s8], $0x4000  }
0x60: {  	s10 =	simm.s32 $0xE00;
	[sflag:s8] =	ssyncset.done $0x0  }
0x61: {  	s11 =	sadd.s32 $0x3800, s14;
	s12 =	simm.s32 $0x680;
	[sflag:s8] =	ssyncadd.s32 $0xFFFFC000  }
.LBB2_2:
0x62: {  	[tilespmem:s29], [sflag:$0x7] =	stream.indirect.gather [hbm4b:s2+s16], $0x80, s12, s16, $0xb8;
	[tilespmem:$0x1DC00] =	vst v63  }
0x63: {  	s12 =	smov.u32 s10  }
0x64: {  	p0 =	sne.s32 s10, $0x4600;
	s10 =	sadd.s32 $0xE00, s10;
	_ =	swait.ge [sflag:s30], $0x4000  }
0x65: {  	[sflag:s30] =	ssyncset.done $0x0  }
0x66: {  	s13 =	sadd.s32 $0xFFFFD000, s11;
	[sflag:s30] =	ssyncadd.s32 $0xFFFFC000  }
0x67: {  	[hbm4b:s13+s3] =	stream.linear.scatter [tilespmem:s17], [sflag:$0x8], $0x4000, $0x38;
	[tilespmem:$0x1DC00] =	vst v63  }
0x68: {  	_ =	swait.ge [sflag:s31], $0x4000  }
0x69: {  	[sflag:s31] =	ssyncset.done $0x0  }
0x6a: {  	s13 =	sadd.s32 $0xFFFFD800, s11;
	[sflag:s31] =	ssyncadd.s32 $0xFFFFC000  }
0x6b: {  	[hbm4b:s13+s3] =	stream.linear.scatter [tilespmem:s18], [sflag:$0x9], $0x4000, $0x38;
	[tilespmem:$0x1DC00] =	vst v63  }
0x6c: {  	_ =	swait.ge [sflag:s1], $0x4000  }
0x6d: {  	[sflag:s1] =	ssyncset.done $0x0  }
0x6e: {  	s13 =	sadd.s32 $0xFFFFE000, s11;
	[sflag:s1] =	ssyncadd.s32 $0xFFFFC000  }
0x6f: {  	[hbm4b:s13+s3] =	stream.linear.scatter [tilespmem:s20], [sflag:$0xA], $0x4000, $0x38;
	[tilespmem:$0x1DC00] =	vst v63  }
0x70: {  	_ =	swait.ge [sflag:s0], $0x4000  }
0x71: {  	[sflag:s0] =	ssyncset.done $0x0  }
0x72: {  	s13 =	sadd.s32 $0xFFFFE800, s11;
	[sflag:s0] =	ssyncadd.s32 $0xFFFFC000  }
0x73: {  	[hbm4b:s13+s3] =	stream.linear.scatter [tilespmem:s22], [sflag:$0xB], $0x4000, $0x38;
	[tilespmem:$0x1DC00] =	vst v63  }
0x74: {  	_ =	swait.ge [sflag:s19], $0x4000  }
0x75: {  	[sflag:s19] =	ssyncset.done $0x0  }
0x76: {  	s13 =	sadd.s32 $0xFFFFF000, s11;
	[sflag:s19] =	ssyncadd.s32 $0xFFFFC000  }
0x77: {  	[hbm4b:s13+s3] =	stream.linear.scatter [tilespmem:s24], [sflag:$0xC], $0x4000, $0x38;
	[tilespmem:$0x1DC00] =	vst v63  }
0x78: {  	_ =	swait.ge [sflag:s21], $0x4000  }
0x79: {  	[sflag:s21] =	ssyncset.done $0x0  }
0x7a: {  	s13 =	sadd.s32 $0xFFFFF800, s11;
	[sflag:s21] =	ssyncadd.s32 $0xFFFFC000  }
0x7b: {  	[hbm4b:s13+s3] =	stream.linear.scatter [tilespmem:s26], [sflag:$0xD], $0x4000, $0x38;
	[tilespmem:$0x1DC00] =	vst v63  }
0x7c: {  	_ =	swait.ge [sflag:s23], $0x4000  }
0x7d: {  	[sflag:s23] =	ssyncset.done $0x0  }
0x7e: {  	[sflag:s23] =	ssyncadd.s32 $0xFFFFC000  }
0x7f: {  	[hbm4b:s11+s3] =	stream.linear.scatter [tilespmem:s29], [sflag:$0xE], $0x4000, $0x38;
	[tilespmem:$0x1DC00] =	vst v63  }
0x80: {  	_ =	swait.ge [sflag:s25], $0x4000  }
0x81: {  	s12 =	sshra.s32 s12, $0x2;
	[sflag:s25] =	ssyncset.done $0x0  }
0x82: {  	s13 =	sadd.s32 $0x380, s12;
	[sflag:s25] =	ssyncadd.s32 $0xFFFFC000  }
0x83: {  	[tilespmem:s17], [sflag:$0x1] =	stream.indirect.gather [hbm4b:s2+s16], $0x80, s13, s16, $0xb8;
	[tilespmem:$0x1DC00] =	vst v63  }
0x84: {  	_ =	swait.ge [sflag:s28], $0x4000  }
0x85: {  	[sflag:s28] =	ssyncset.done $0x0  }
0x86: {  	s13 =	sadd.s32 $0x400, s12;
	[sflag:s28] =	ssyncadd.s32 $0xFFFFC000  }
0x87: {  	[tilespmem:s18], [sflag:$0x2] =	stream.indirect.gather [hbm4b:s2+s16], $0x80, s13, s16, $0xb8;
	[tilespmem:$0x1DC00] =	vst v63  }
0x88: {  	_ =	swait.ge [sflag:s4], $0x4000  }
0x89: {  	[sflag:s4] =	ssyncset.done $0x0  }
0x8a: {  	s13 =	sadd.s32 $0x480, s12;
	[sflag:s4] =	ssyncadd.s32 $0xFFFFC000  }
0x8b: {  	[tilespmem:s20], [sflag:$0x3] =	stream.indirect.gather [hbm4b:s2+s16], $0x80, s13, s16, $0xb8;
	[tilespmem:$0x1DC00] =	vst v63  }
0x8c: {  	_ =	swait.ge [sflag:s5], $0x4000  }
0x8d: {  	[sflag:s5] =	ssyncset.done $0x0  }
0x8e: {  	s13 =	sadd.s32 $0x500, s12;
	[sflag:s5] =	ssyncadd.s32 $0xFFFFC000  }
0x8f: {  	[tilespmem:s22], [sflag:$0x4] =	stream.indirect.gather [hbm4b:s2+s16], $0x80, s13, s16, $0xb8;
	[tilespmem:$0x1DC00] =	vst v63  }
0x90: {  	_ =	swait.ge [sflag:s6], $0x4000  }
0x91: {  	[sflag:s6] =	ssyncset.done $0x0  }
0x92: {  	s13 =	sadd.s32 $0x580, s12;
	[sflag:s6] =	ssyncadd.s32 $0xFFFFC000  }
0x93: {  	[tilespmem:s24], [sflag:$0x5] =	stream.indirect.gather [hbm4b:s2+s16], $0x80, s13, s16, $0xb8;
	[tilespmem:$0x1DC00] =	vst v63  }
0x94: {  	_ =	swait.ge [sflag:s7], $0x4000  }
0x95: {  	[sflag:s7] =	ssyncset.done $0x0  }
.Ltmp0:
0x96: {  	s13 =	sadd.s32 $0x600, s12;
	[sflag:s7] =	ssyncadd.s32 $0xFFFFC000;
	(pc) =	sbr.rel @p0 .LBB2_2-.Ltmp0, $4  }
0x97: {  	[tilespmem:s26], [sflag:$0x6] =	stream.indirect.gather [hbm4b:s2+s16], $0x80, s13, s16, $0xb8;
	[tilespmem:$0x1DC00] =	vst v63  }
0x98: {  	_ =	swait.ge [sflag:s8], $0x4000  }
0x99: {  	[sflag:s8] =	ssyncset.done $0x0  }
0x9a: {  	s11 =	sadd.s32 $0x3800, s11;
	s12 =	sadd.s32 $0x680, s12;
	[sflag:s8] =	ssyncadd.s32 $0xFFFFC000  }
0x9b: {  	[tilespmem:s29], [sflag:$0x7] =	stream.indirect.gather [hbm4b:s2+s16], $0x80, s12, s16, $0xb8;
	[tilespmem:$0x1DC00] =	vst v63  }
0x9c: {  	_ =	swait.ge [sflag:s30], $0x4000  }
0x9d: {  	[sflag:s30] =	ssyncset.done $0x0  }
0x9e: {  	s10 =	rddreg [dreg:$0x5];
	[sflag:s30] =	ssyncadd.s32 $0xFFFFC000  }
0x9f: {  	[hbm4b:s10+s3] =	stream.linear.scatter [tilespmem:s17], [sflag:$0x8], $0x4000, $0x38;
	[tilespmem:$0x1DC00] =	vst v63  }
0xa0: {  	_ =	swait.ge [sflag:s31], $0x4000  }
0xa1: {  	[sflag:s31] =	ssyncset.done $0x0  }
0xa2: {  	s11 =	rddreg [dreg:$0x6];
	[sflag:s31] =	ssyncadd.s32 $0xFFFFC000  }
0xa3: {  	[hbm4b:s11+s3] =	stream.linear.scatter [tilespmem:s18], [sflag:$0x9], $0x4000, $0x38;
	[tilespmem:$0x1DC00] =	vst v63  }
0xa4: {  	_ =	swait.ge [sflag:s1], $0x4000  }
0xa5: {  	[sflag:s1] =	ssyncset.done $0x0  }
0xa6: {  	s12 =	rddreg [dreg:$0x7];
	[sflag:s1] =	ssyncadd.s32 $0xFFFFC000  }
0xa7: {  	[hbm4b:s12+s3] =	stream.linear.scatter [tilespmem:s20], [sflag:$0xA], $0x4000, $0x38;
	[tilespmem:$0x1DC00] =	vst v63  }
0xa8: {  	_ =	swait.ge [sflag:s0], $0x4000  }
0xa9: {  	[sflag:s0] =	ssyncset.done $0x0  }
0xaa: {  	s13 =	rddreg [dreg:$0x8];
	[sflag:s0] =	ssyncadd.s32 $0xFFFFC000  }
0xab: {  	[hbm4b:s13+s3] =	stream.linear.scatter [tilespmem:s22], [sflag:$0xB], $0x4000, $0x38;
	[tilespmem:$0x1DC00] =	vst v63  }
0xac: {  	_ =	swait.ge [sflag:s19], $0x4000  }
0xad: {  	[sflag:s19] =	ssyncset.done $0x0  }
0xae: {  	s11 =	rddreg [dreg:$0x9];
	[sflag:s19] =	ssyncadd.s32 $0xFFFFC000  }
0xaf: {  	[hbm4b:s11+s3] =	stream.linear.scatter [tilespmem:s24], [sflag:$0xC], $0x4000, $0x38;
	[tilespmem:$0x1DC00] =	vst v63  }
0xb0: {  	_ =	swait.ge [sflag:s21], $0x4000  }
0xb1: {  	[sflag:s21] =	ssyncset.done $0x0  }
0xb2: {  	s12 =	rddreg [dreg:$0xa];
	[sflag:s21] =	ssyncadd.s32 $0xFFFFC000  }
0xb3: {  	[hbm4b:s12+s3] =	stream.linear.scatter [tilespmem:s26], [sflag:$0xD], $0x4000, $0x38;
	[tilespmem:$0x1DC00] =	vst v63  }
0xb4: {  	_ =	swait.ge [sflag:s23], $0x4000  }
0xb5: {  	[sflag:s23] =	ssyncset.done $0x0  }
0xb6: {  	s13 =	rddreg [dreg:$0xb];
	[sflag:s23] =	ssyncadd.s32 $0xFFFFC000  }
0xb7: {  	[hbm4b:s13+s3] =	stream.linear.scatter [tilespmem:s29], [sflag:$0xE], $0x4000, $0x38;
	[tilespmem:$0x1DC00] =	vst v63  }
0xb8: {  	_ =	swait.ge [sflag:s25], $0x4000  }
0xb9: {  	[sflag:s25] =	ssyncset.done $0x0  }
0xba: {  	s11 =	simm.s32 $0x1880;
	[sflag:s25] =	ssyncadd.s32 $0xFFFFC000  }
0xbb: {  	[tilespmem:s17], [sflag:$0x1] =	stream.indirect.gather [hbm4b:s2+s16], $0x80, s11, s16, $0xb8;
	[tilespmem:$0x1DC00] =	vst v63  }
0xbc: {  	_ =	swait.ge [sflag:s30], $0x4000  }
0xbd: {  	[sflag:s30] =	ssyncset.done $0x0  }
0xbe: {  	s12 =	rddreg [dreg:$0xc];
	[sflag:s30] =	ssyncadd.s32 $0xFFFFC000  }
0xbf: {  	[hbm4b:s12+s3] =	stream.linear.scatter [tilespmem:s17], [sflag:$0x8], $0x4000, $0x38;
	[tilespmem:$0x1DC00] =	vst v63  }
0xc0: {  	_ =	swait.ge [sflag:s25], $0x4000  }
0xc1: {  	[sflag:s25] =	ssyncset.done $0x0  }
0xc2: {  	[sflag:s25] =	ssyncadd.s32 $0xFFFFC000  }
0xc3: {  	_ =	swait.ge [sflag:s28], $0x4000  }
0xc4: {  	[sflag:s28] =	ssyncset.done $0x0  }
0xc5: {  	[sflag:s28] =	ssyncadd.s32 $0xFFFFC000  }
0xc6: {  	_ =	swait.ge [sflag:s4], $0x4000  }
0xc7: {  	[sflag:s4] =	ssyncset.done $0x0  }
0xc8: {  	[sflag:s4] =	ssyncadd.s32 $0xFFFFC000  }
0xc9: {  	_ =	swait.ge [sflag:s5], $0x4000  }
0xca: {  	[sflag:s5] =	ssyncset.done $0x0  }
0xcb: {  	[sflag:s5] =	ssyncadd.s32 $0xFFFFC000  }
0xcc: {  	_ =	swait.ge [sflag:s6], $0x4000  }
0xcd: {  	[sflag:s6] =	ssyncset.done $0x0  }
0xce: {  	[sflag:s6] =	ssyncadd.s32 $0xFFFFC000  }
0xcf: {  	_ =	swait.ge [sflag:s7], $0x4000  }
0xd0: {  	[sflag:s7] =	ssyncset.done $0x0  }
0xd1: {  	[sflag:s7] =	ssyncadd.s32 $0xFFFFC000  }
0xd2: {  	_ =	swait.ge [sflag:s8], $0x4000  }
0xd3: {  	s9 =	sadd.s32 $0x1, s9;
	s13 =	rddreg [dreg:$0xd]  }
0xd4: {  	p0 =	sne.s32 s9, s13  }
.Ltmp1:
0xd5: {  	_ = 	snop;
	(pc) =	sbr.rel @p0 .LBB2_1-.Ltmp1, $3  }
0xd6: {  	_ =	sdelay $0x1  }
0xd7: {  	[sflag:s8] =	ssyncset.done $0x0  }
0xd8: {  	[sflag:s8] =	ssyncadd.s32 $0xFFFFC000  }
0xd9: {  	_ =	sfence.sel $0x180000  }
0xda: {  	[bflag:$0x0] =	sbarrier.arrive $0xFFFF  }
0xdb: {  	_ =	strace $0x90000047  }
0xdc: {  	s0 =	stileid.u32;
	[bflag:$0x2] =	sbarrier.arrive $0xFFFF  }
0xdd: {  	p0 =	sne.s32 s0, $0x0;
	s0 =	rddreg [dreg:$0x3]  }
0xde: {  	s0 =	sadd.s32 @!p0 $0x100000, s0  }
0xdf: {  	[sflag:s0] =	ssyncadd.tile.s32 @!p0 $0x1;
	_ =	shalt  }
.Lfunc_end2:
_tile_overlayer_lowered:
.L_overlay_start_2:
0xe0: {  	(tag) =	ssettag $0x2  }
0xe1: {  	s0 =	rddreg [dreg:$0x0];
	s2 =	stileid.u32  }
0xe2: {  	s1 =	rddreg [dreg:$0x1];
	p0 =	sne.s32 s2, $0x0  }
0xe3: {  	s3 =	rddreg [dreg:$0x2];
	[bflag:$0x3] =	sbarrier.arrive $0xFFFF;
	s2 =	simm.s32 @!p0 $0x1C0F  }
0xe4: {  	[timem:s3], [sflag:s2] =	dma.local @!p0 [hbm:s0], s1  }
0xe5: {  	s0 =	simm.s32 @!p0 $0xF  }
0xe6: {  	_ =	swait.ge @!p0 [sflag:s0], s1  }
0xe7: {  	s1 =	ssub.s32 @!p0 $0x0, s1;
	[sflag:s0] =	ssyncset.done @!p0 $0x0  }
0xe8: {  	[sflag:s0] =	ssyncadd.s32 @!p0 s1  }
0xe9: {  	[bflag:$0x3] =	sbarrier.arrive $0xFFFF  }
0xea: {  	_ =	shalt  }

</sc_bundles>
